<compile_context>
chip_gen: v7x
topology: tpu7x:2x2x1
jax: 0.10.2.dev20260603
libtpu: 0.0.44.dev20260713+nightly
codegen_flags: <defaults>
</compile_context>

<pallas_src>
import functools

import jax
import jax.numpy as jnp
from jax import lax
from jax.experimental import pallas as pl
from jax.experimental.pallas import tpu as pltpu
from jax.experimental.pallas import tpu_sc as plsc

V = 1000
VC = 1024
D = 128
EPS = 0.2
T_INV = 2.0
BLK = 512

NC = 2
NS = 16
NW = NC * NS
CHUNK = 32
TC_BLOCKS = 16
LANES = 16


def _s_table_body(emb_ref, s_ref, sbf_ref):
    emb = emb_ref[...]
    ss = jnp.sum(emb * emb, axis=1, keepdims=True)
    nrm = jnp.maximum(jnp.sqrt(ss), 1e-12)
    emb_n = emb / nrm
    sim = jax.lax.dot_general(
        emb_n, emb_n, (((1,), (1,)), ((), ())),
        preferred_element_type=jnp.float32)
    rows = jax.lax.broadcasted_iota(jnp.int32, (V, V), 0)
    cols = jax.lax.broadcasted_iota(jnp.int32, (V, V), 1)
    diag = rows == cols
    masked = jnp.where(diag, -jnp.inf, sim * T_INV)
    m = jnp.max(masked, axis=1, keepdims=True)
    e = jnp.exp(masked - m)
    denom = jnp.sum(e, axis=1, keepdims=True)
    s = e * (EPS / denom)
    s = jnp.where(diag, 1.0 - EPS, s)
    s_ref[...] = jnp.pad(s, ((0, 0), (0, VC - V)))
    sbf_ref[...] = s.astype(jnp.bfloat16)


def _make_dot_gather(batch):
    row0 = TC_BLOCKS * BLK
    rows_per_w = (batch - row0) // NW
    nchunk = rows_per_w // CHUNK
    mesh = plsc.VectorSubcoreMesh(core_axis_name="c", subcore_axis_name="s")

    @functools.partial(
        pl.kernel,
        mesh=mesh,
        out_type=jax.ShapeDtypeStruct((NW, LANES), jnp.float32),
        scratch_types=[
            pltpu.VMEM((CHUNK,), jnp.int32),
            pltpu.VMEM((CHUNK, V), jnp.float32),
            pltpu.VMEM((CHUNK, VC), jnp.float32),
            pltpu.VMEM((LANES,), jnp.float32),
            pltpu.SemaphoreType.DMA,
        ],
    )
    def dot_gather(logits_hbm, labels_hbm, s_hbm, out_hbm,
                   idx_v, x_v, srows_v, acc_v, sem):
        c = lax.axis_index("c")
        s = lax.axis_index("s")
        wid = c * NS + s

        iota = jax.lax.broadcasted_iota(jnp.int32, (LANES,), 0)
        tail_mask = jnp.where(iota >= 8,
                              jnp.ones((LANES,), jnp.float32),
                              jnp.zeros((LANES,), jnp.float32))

        def body(k, acc):
            base = row0 + wid * rows_per_w + k * CHUNK
            pltpu.sync_copy(labels_hbm.at[pl.ds(base, CHUNK)], idx_v)
            stg = pltpu.async_copy(
                logits_hbm.at[pl.ds(base, CHUNK)], x_v, sem)
            gat = pltpu.async_copy(s_hbm.at[idx_v], srows_v, sem)
            stg.wait()
            gat.wait()

            def rbody(r, acc_in):
                a = acc_in
                for j in range(V // LANES):
                    x = x_v[r, pl.ds(j * LANES, LANES)]
                    sr = srows_v[r, pl.ds(j * LANES, LANES)]
                    a = a + x * sr
                xt = x_v[r, pl.ds(V - LANES, LANES)] * tail_mask
                st = srows_v[r, pl.ds(V - LANES, LANES)]
                return a + xt * st

            return lax.fori_loop(0, CHUNK, rbody, acc)

        acc = lax.fori_loop(0, nchunk, body, jnp.zeros((LANES,), jnp.float32))
        acc_v[...] = acc
        pltpu.sync_copy(acc_v, out_hbm.at[wid])

    return dot_gather


def _lse_body(logits_ref, labels_ref, sbf_ref, out_ref, acc_scr):
    i = pl.program_id(0)

    @pl.when(i == 0)
    def _init():
        acc_scr[0] = 0.0

    x = logits_ref[...]
    m = jnp.max(x, axis=1, keepdims=True)
    e = jnp.exp(x - m)
    sm = jnp.sum(e, axis=1)
    lse = jnp.log(sm) + m[:, 0]
    acc_scr[0] += jnp.sum(lse)

    @pl.when(i < TC_BLOCKS)
    def _dot():
        lab = labels_ref[0, 0, :]
        oh = (jax.lax.broadcasted_iota(jnp.int32, (BLK, V), 1)
              == lab[:, None]).astype(jnp.bfloat16)
        sg = jax.lax.dot_general(
            oh, sbf_ref[...], (((1,), (0,)), ((), ())),
            preferred_element_type=jnp.float32)
        acc_scr[0] += -jnp.sum(sg * x)

    @pl.when(i == pl.num_programs(0) - 1)
    def _fin():
        out_ref[0] = acc_scr[0]


def kernel(logits, labels, word_emb_tab):
    logits = logits.astype(jnp.float32)
    labels = labels.astype(jnp.int32)
    batch = logits.shape[0]
    nblk = batch // BLK

    s_tab, s_bf = pl.pallas_call(
        _s_table_body,
        out_shape=(jax.ShapeDtypeStruct((V, VC), jnp.float32),
                   jax.ShapeDtypeStruct((V, V), jnp.bfloat16)),
    )(word_emb_tab.astype(jnp.float32))

    dots = _make_dot_gather(batch)(logits, labels, s_tab)

    labels3 = labels.reshape(nblk, 1, BLK)
    lse_total = pl.pallas_call(
        _lse_body,
        grid=(nblk,),
        in_specs=[
            pl.BlockSpec((BLK, V), lambda i: (i, 0)),
            pl.BlockSpec((1, 1, BLK), lambda i: (i, 0, 0)),
            pl.BlockSpec((V, V), lambda i: (0, 0)),
        ],
        out_specs=pl.BlockSpec(memory_space=pltpu.SMEM),
        out_shape=jax.ShapeDtypeStruct((1,), jnp.float32),
        scratch_shapes=[
            pltpu.SMEM((1,), jnp.float32),
        ],
    )(logits, labels3, s_bf)

    return ((lse_total[0] - jnp.sum(dots)) / batch).astype(jnp.float32)

# --- scband reference (transcript-rebuilt; emitter-appended) ---
"""Pipeline reference for scband-label-smooth-ce-14474039787843 (READ-ONLY COPY).

The authoritative reference and input builder live on the scoring server;
editing this copy changes nothing except your own understanding.
"""

import jax, jax.numpy as jnp
import numpy as np

VOCAB = 1000
EMB_DIM = 128
BATCH = 16384
EPSILON = 0.2
T = 0.5


def setup_inputs(seed: int = 0) -> dict:
    key = jax.random.key(seed)
    k1, k2, k3 = jax.random.split(key, 3)
    logits = jax.random.normal(k1, (BATCH, VOCAB), dtype=jnp.float32)
    labels = jax.random.randint(k2, (BATCH,), 0, VOCAB, dtype=jnp.int64 if jax.config.jax_enable_x64 else jnp.int32)
    word_emb_tab = jax.random.normal(k3, (VOCAB, EMB_DIM), dtype=jnp.float32)
    return {"logits": logits, "labels": labels, "word_emb_tab": word_emb_tab}


def reference(logits, labels, word_emb_tab):
    logits = logits.astype(jnp.float32)
    # normalize embedding table and build similarity matrix (done in __init__ in torch)
    norm = jnp.linalg.norm(word_emb_tab, axis=-1, keepdims=True)
    emb_n = word_emb_tab / jnp.maximum(norm, 1e-12)
    word_emb_sim = emb_n @ emb_n.T  # [V, V]
    # gather soft labels
    soft_labels = word_emb_sim[labels]  # [B, V]
    idx = jnp.arange(labels.shape[0])
    soft_labels = soft_labels.at[idx, labels].set(-jnp.inf)
    soft_labels = soft_labels / T
    soft_labels = jax.nn.softmax(soft_labels, axis=-1)
    soft_labels = soft_labels * EPSILON
    soft_labels = soft_labels.at[idx, labels].set(1.0 - EPSILON)
    soft_labels = jax.lax.stop_gradient(soft_labels)
    logs = jax.nn.log_softmax(logits, axis=-1)
    loss = -jnp.sum(logs * soft_labels, axis=-1)
    loss = loss.sum() / labels.shape[0]
    return loss

if __name__ == "__main__":
    import jax
    _d = setup_inputs()
    print(jax.jit(kernel)(*tuple(_d.values())))

</pallas_src>

<mosaic_0001>
#map = affine_map<(d0, d1) -> (0, 0)>
#map1 = affine_map<(d0, d1) -> (0)>
module attributes {stable_mosaic.version = 14 : i64} {
  func.func @dot_gather(%arg0: i32, %arg1: i32, %arg2: memref<16384x1000xf32, #tpu.memory_space<hbm>>, %arg3: memref<16384xi32, #tpu.memory_space<hbm>>, %arg4: memref<1000x1024xf32, #tpu.memory_space<hbm>>, %arg5: memref<32x16xf32, #tpu.memory_space<hbm>>, %arg6: memref<32xi32, #tpu.memory_space<vmem>>, %arg7: memref<32x1000xf32, #tpu.memory_space<vmem>>, %arg8: memref<32x1024xf32, #tpu.memory_space<vmem>>, %arg9: memref<16xf32, #tpu.memory_space<vmem>>, %arg10: memref<!tpu.dma_semaphore, #tpu.memory_space<semaphore_mem>>) attributes {dimension_semantics = [#tpu.dimension_semantics<core_parallel>, #tpu.dimension_semantics<subcore_parallel>], iteration_bounds = array<i64: 2, 16>, scalar_prefetch = 0 : i64, scratch_operands = 5 : i64, tpu.core_type = #tpu.core_type<sc_vector_subcore>, window_params = [{transform_indices = #map}, {transform_indices = #map1}, {transform_indices = #map}, {transform_indices = #map}]} {
    %mul3A = arith.constant 16 : i32
    %mul3A_0 = arith.muli %arg0, %mul3A : i32
    %add3A = arith.addi %mul3A_0, %arg1 : i32
    %iota3A = tpu.iota {dimensions = array<i32: 0>} : vector<16xi32>
    %ge3A = arith.constant 8 : i32
    %ge3A_1 = vector.broadcast %ge3A : i32 to vector<16xi32>
    %ge3A_2 = arith.cmpi sge, %iota3A, %ge3A_1 : vector<16xi32>
    %broadcast_in_dim3A = arith.constant 1.000000e+00 : f32
    %broadcast_in_dim3A_3 = vector.broadcast %broadcast_in_dim3A : f32 to vector<16xf32>
    %broadcast_in_dim3A_4 = arith.constant 0.000000e+00 : f32
    %broadcast_in_dim3A_5 = vector.broadcast %broadcast_in_dim3A_4 : f32 to vector<16xf32>
    %select_n3A = arith.select %ge3A_2, %broadcast_in_dim3A_3, %broadcast_in_dim3A_5 : vector<16xi1>, vector<16xf32>
    %broadcast_in_dim3A_6 = arith.constant 0.000000e+00 : f32
    %broadcast_in_dim3A_7 = vector.broadcast %broadcast_in_dim3A_6 : f32 to vector<16xf32>
    %scan3A = arith.constant 0 : i32
    %scan3A_8 = arith.constant 8 : i32
    %scan3A_9 = arith.addi %scan3A, %scan3A_8 : i32
    %scan3A_10 = arith.constant 1 : i32
    %scan3A_11 = scf.for %scan3A_16 = %scan3A to %scan3A_9 step %scan3A_10 iter_args(%scan3A_17 = %broadcast_in_dim3A_7) -> (vector<16xf32>)  : i32 {
      %mul3A_18 = arith.constant 256 : i32
      %mul3A_19 = arith.muli %add3A, %mul3A_18 : i32
      %add3A_20 = arith.constant 8192 : i32
      %add3A_21 = arith.addi %add3A_20, %mul3A_19 : i32
      %mul3A_22 = arith.constant 32 : i32
      %mul3A_23 = arith.muli %scan3A_16, %mul3A_22 : i32
      %add3A_24 = arith.addi %add3A_21, %mul3A_23 : i32
      "tpu.region"() ({
        %run_scoped3A = tpu.sem_alloc : memref<!tpu.dma_semaphore, #tpu.memory_space<semaphore_mem>>
        %dma_start3A_43 = tpu.memref_slice %arg3[%add3A_24] : memref<16384xi32, #tpu.memory_space<hbm>> -> memref<32xi32, #tpu.memory_space<hbm>>
        %dma_start3A_44 = tpu.memref_slice %arg3[%add3A_24] : memref<16384xi32, #tpu.memory_space<hbm>> -> memref<32xi32, #tpu.memory_space<hbm>>
        tpu.enqueue_dma source(%dma_start3A_44 : memref<32xi32, #tpu.memory_space<hbm>>) target(%arg6 : memref<32xi32, #tpu.memory_space<vmem>>) target_semaphore(%run_scoped3A : memref<!tpu.dma_semaphore, #tpu.memory_space<semaphore_mem>>)
        %dma_wait3A_45 = tpu.memref_slice %arg3[%add3A_24] : memref<16384xi32, #tpu.memory_space<hbm>> -> memref<32xi32, #tpu.memory_space<hbm>>
        %dma_wait3A_46 = tpu.memref_slice %arg3[%add3A_24] : memref<16384xi32, #tpu.memory_space<hbm>> -> memref<32xi32, #tpu.memory_space<hbm>>
        tpu.wait_dma2 semaphore(%run_scoped3A : memref<!tpu.dma_semaphore, #tpu.memory_space<semaphore_mem>>) src(%dma_wait3A_46 : memref<32xi32, #tpu.memory_space<hbm>>) dst(%arg6 : memref<32xi32, #tpu.memory_space<vmem>>)
        tpu.yield
      }) : () -> ()
      %dma_start3A = arith.constant 0 : i32
      %dma_start3A_25 = tpu.memref_slice %arg2[%add3A_24, %dma_start3A] : memref<16384x1000xf32, #tpu.memory_space<hbm>> -> memref<32x1000xf32, #tpu.memory_space<hbm>>
      %dma_start3A_26 = arith.constant 0 : i32
      %dma_start3A_27 = tpu.memref_slice %arg2[%add3A_24, %dma_start3A_26] : memref<16384x1000xf32, #tpu.memory_space<hbm>> -> memref<32x1000xf32, #tpu.memory_space<hbm>>
      tpu.enqueue_dma source(%dma_start3A_27 : memref<32x1000xf32, #tpu.memory_space<hbm>>) target(%arg7 : memref<32x1000xf32, #tpu.memory_space<vmem>>) target_semaphore(%arg10 : memref<!tpu.dma_semaphore, #tpu.memory_space<semaphore_mem>>)
      %dma_start3A_28 = arith.constant 0 : i32
      %dma_start3A_29 = arith.constant 0 : i32
      %dma_start3A_30 = tpu.memref_slice %arg4[%dma_start3A_28, %dma_start3A_29] : memref<1000x1024xf32, #tpu.memory_space<hbm>> -> memref<1000x1024xf32, #tpu.memory_space<hbm>>
      tpu.enqueue_indirect_dma source(%dma_start3A_30 : memref<1000x1024xf32, #tpu.memory_space<hbm>>) target(%arg8 : memref<32x1024xf32, #tpu.memory_space<vmem>>) offsets(%arg6 : memref<32xi32, #tpu.memory_space<vmem>>) semaphore(%arg10 : memref<!tpu.dma_semaphore, #tpu.memory_space<semaphore_mem>>)
      %dma_wait3A = arith.constant 0 : i32
      %dma_wait3A_31 = tpu.memref_slice %arg2[%add3A_24, %dma_wait3A] : memref<16384x1000xf32, #tpu.memory_space<hbm>> -> memref<32x1000xf32, #tpu.memory_space<hbm>>
      %dma_wait3A_32 = arith.constant 0 : i32
      %dma_wait3A_33 = tpu.memref_slice %arg2[%add3A_24, %dma_wait3A_32] : memref<16384x1000xf32, #tpu.memory_space<hbm>> -> memref<32x1000xf32, #tpu.memory_space<hbm>>
      tpu.wait_dma2 semaphore(%arg10 : memref<!tpu.dma_semaphore, #tpu.memory_space<semaphore_mem>>) src(%dma_wait3A_33 : memref<32x1000xf32, #tpu.memory_space<hbm>>) dst(%arg7 : memref<32x1000xf32, #tpu.memory_space<vmem>>)
      %dma_wait3A_34 = arith.constant 0 : i32
      %dma_wait3A_35 = arith.constant 0 : i32
      %dma_wait3A_36 = tpu.memref_slice %arg4[%dma_wait3A_34, %dma_wait3A_35] : memref<1000x1024xf32, #tpu.memory_space<hbm>> -> memref<1000x1024xf32, #tpu.memory_space<hbm>>
      tpu.wait_indirect_dma semaphore(%arg10 : memref<!tpu.dma_semaphore, #tpu.memory_space<semaphore_mem>>) src(%dma_wait3A_36 : memref<1000x1024xf32, #tpu.memory_space<hbm>>) dst(%arg8 : memref<32x1024xf32, #tpu.memory_space<vmem>>)
      %scan3A_37 = arith.constant 0 : i32
      %scan3A_38 = arith.constant 32 : i32
      %scan3A_39 = arith.addi %scan3A_37, %scan3A_38 : i32
      %scan3A_40 = arith.constant 1 : i32
      %scan3A_41 = scf.for %scan3A_43 = %scan3A_37 to %scan3A_39 step %scan3A_40 iter_args(%scan3A_44 = %scan3A_17) -> (vector<16xf32>)  : i32 {
        %get3A = arith.index_cast %scan3A_43 : i32 to index
        %get3A_45 = arith.constant 0 : index
        %get3A_46 = tpu.vector_load %arg7[%get3A, %get3A_45] {strides = array<i32>} : memref<32x1000xf32, #tpu.memory_space<vmem>>, vector<1x16xf32>,
        %get3A_47 = vector.shape_cast %get3A_46 : vector<1x16xf32> to vector<16xf32>
        %get3A_48 = arith.index_cast %scan3A_43 : i32 to index
        %get3A_49 = arith.constant 0 : index
        %get3A_50 = tpu.vector_load %arg8[%get3A_48, %get3A_49] {strides = array<i32>} : memref<32x1024xf32, #tpu.memory_space<vmem>>, vector<1x16xf32>,
        %get3A_51 = vector.shape_cast %get3A_50 : vector<1x16xf32> to vector<16xf32>
        %mul3A_52 = arith.mulf %get3A_47, %get3A_51 : vector<16xf32>
        %add3A_53 = arith.addf %scan3A_44, %mul3A_52 : vector<16xf32>
        %get3A_54 = arith.index_cast %scan3A_43 : i32 to index
        %get3A_55 = arith.constant 16 : index
        %get3A_56 = tpu.vector_load %arg7[%get3A_54, %get3A_55] {strides = array<i32>} : memref<32x1000xf32, #tpu.memory_space<vmem>>, vector<1x16xf32>,
        %get3A_57 = vector.shape_cast %get3A_56 : vector<1x16xf32> to vector<16xf32>
        %get3A_58 = arith.index_cast %scan3A_43 : i32 to index
        %get3A_59 = arith.constant 16 : index
        %get3A_60 = tpu.vector_load %arg8[%get3A_58, %get3A_59] {strides = array<i32>} : memref<32x1024xf32, #tpu.memory_space<vmem>>, vector<1x16xf32>,
        %get3A_61 = vector.shape_cast %get3A_60 : vector<1x16xf32> to vector<16xf32>
        %mul3A_62 = arith.mulf %get3A_57, %get3A_61 : vector<16xf32>
        %add3A_63 = arith.addf %add3A_53, %mul3A_62 : vector<16xf32>
        %get3A_64 = arith.index_cast %scan3A_43 : i32 to index
        %get3A_65 = arith.constant 32 : index
        %get3A_66 = tpu.vector_load %arg7[%get3A_64, %get3A_65] {strides = array<i32>} : memref<32x1000xf32, #tpu.memory_space<vmem>>, vector<1x16xf32>,
        %get3A_67 = vector.shape_cast %get3A_66 : vector<1x16xf32> to vector<16xf32>
        %get3A_68 = arith.index_cast %scan3A_43 : i32 to index
        %get3A_69 = arith.constant 32 : index
        %get3A_70 = tpu.vector_load %arg8[%get3A_68, %get3A_69] {strides = array<i32>} : memref<32x1024xf32, #tpu.memory_space<vmem>>, vector<1x16xf32>,
        %get3A_71 = vector.shape_cast %get3A_70 : vector<1x16xf32> to vector<16xf32>
        %mul3A_72 = arith.mulf %get3A_67, %get3A_71 : vector<16xf32>
        %add3A_73 = arith.addf %add3A_63, %mul3A_72 : vector<16xf32>
        %get3A_74 = arith.index_cast %scan3A_43 : i32 to index
        %get3A_75 = arith.constant 48 : index
        %get3A_76 = tpu.vector_load %arg7[%get3A_74, %get3A_75] {strides = array<i32>} : memref<32x1000xf32, #tpu.memory_space<vmem>>, vector<1x16xf32>,
        %get3A_77 = vector.shape_cast %get3A_76 : vector<1x16xf32> to vector<16xf32>
        %get3A_78 = arith.index_cast %scan3A_43 : i32 to index
        %get3A_79 = arith.constant 48 : index
        %get3A_80 = tpu.vector_load %arg8[%get3A_78, %get3A_79] {strides = array<i32>} : memref<32x1024xf32, #tpu.memory_space<vmem>>, vector<1x16xf32>,
        %get3A_81 = vector.shape_cast %get3A_80 : vector<1x16xf32> to vector<16xf32>
        %mul3A_82 = arith.mulf %get3A_77, %get3A_81 : vector<16xf32>
        %add3A_83 = arith.addf %add3A_73, %mul3A_82 : vector<16xf32>
        %get3A_84 = arith.index_cast %scan3A_43 : i32 to index
        %get3A_85 = arith.constant 64 : index
        %get3A_86 = tpu.vector_load %arg7[%get3A_84, %get3A_85] {strides = array<i32>} : memref<32x1000xf32, #tpu.memory_space<vmem>>, vector<1x16xf32>,
        %get3A_87 = vector.shape_cast %get3A_86 : vector<1x16xf32> to vector<16xf32>
        %get3A_88 = arith.index_cast %scan3A_43 : i32 to index
        %get3A_89 = arith.constant 64 : index
        %get3A_90 = tpu.vector_load %arg8[%get3A_88, %get3A_89] {strides = array<i32>} : memref<32x1024xf32, #tpu.memory_space<vmem>>, vector<1x16xf32>,
        %get3A_91 = vector.shape_cast %get3A_90 : vector<1x16xf32> to vector<16xf32>
        %mul3A_92 = arith.mulf %get3A_87, %get3A_91 : vector<16xf32>
        %add3A_93 = arith.addf %add3A_83, %mul3A_92 : vector<16xf32>
        %get3A_94 = arith.index_cast %scan3A_43 : i32 to index
        %get3A_95 = arith.constant 80 : index
        %get3A_96 = tpu.vector_load %arg7[%get3A_94, %get3A_95] {strides = array<i32>} : memref<32x1000xf32, #tpu.memory_space<vmem>>, vector<1x16xf32>,
        %get3A_97 = vector.shape_cast %get3A_96 : vector<1x16xf32> to vector<16xf32>
        %get3A_98 = arith.index_cast %scan3A_43 : i32 to index
        %get3A_99 = arith.constant 80 : index
        %get3A_100 = tpu.vector_load %arg8[%get3A_98, %get3A_99] {strides = array<i32>} : memref<32x1024xf32, #tpu.memory_space<vmem>>, vector<1x16xf32>,
        %get3A_101 = vector.shape_cast %get3A_100 : vector<1x16xf32> to vector<16xf32>
        %mul3A_102 = arith.mulf %get3A_97, %get3A_101 : vector<16xf32>
        %add3A_103 = arith.addf %add3A_93, %mul3A_102 : vector<16xf32>
        %get3A_104 = arith.index_cast %scan3A_43 : i32 to index
        %get3A_105 = arith.constant 96 : index
        %get3A_106 = tpu.vector_load %arg7[%get3A_104, %get3A_105] {strides = array<i32>} : memref<32x1000xf32, #tpu.memory_space<vmem>>, vector<1x16xf32>,
        %get3A_107 = vector.shape_cast %get3A_106 : vector<1x16xf32> to vector<16xf32>
        %get3A_108 = arith.index_cast %scan3A_43 : i32 to index
        %get3A_109 = arith.constant 96 : index
        %get3A_110 = tpu.vector_load %arg8[%get3A_108, %get3A_109] {strides = array<i32>} : memref<32x1024xf32, #tpu.memory_space<vmem>>, vector<1x16xf32>,
        %get3A_111 = vector.shape_cast %get3A_110 : vector<1x16xf32> to vector<16xf32>
        %mul3A_112 = arith.mulf %get3A_107, %get3A_111 : vector<16xf32>
        %add3A_113 = arith.addf %add3A_103, %mul3A_112 : vector<16xf32>
        %get3A_114 = arith.index_cast %scan3A_43 : i32 to index
        %get3A_115 = arith.constant 112 : index
        %get3A_116 = tpu.vector_load %arg7[%get3A_114, %get3A_115] {strides = array<i32>} : memref<32x1000xf32, #tpu.memory_space<vmem>>, vector<1x16xf32>,
        %get3A_117 = vector.shape_cast %get3A_116 : vector<1x16xf32> to vector<16xf32>
        %get3A_118 = arith.index_cast %scan3A_43 : i32 to index
        %get3A_119 = arith.constant 112 : index
        %get3A_120 = tpu.vector_load %arg8[%get3A_118, %get3A_119] {strides = array<i32>} : memref<32x1024xf32, #tpu.memory_space<vmem>>, vector<1x16xf32>,
        %get3A_121 = vector.shape_cast %get3A_120 : vector<1x16xf32> to vector<16xf32>
        %mul3A_122 = arith.mulf %get3A_117, %get3A_121 : vector<16xf32>
        %add3A_123 = arith.addf %add3A_113, %mul3A_122 : vector<16xf32>
        %get3A_124 = arith.index_cast %scan3A_43 : i32 to index
        %get3A_125 = arith.constant 128 : index
        %get3A_126 = tpu.vector_load %arg7[%get3A_124, %get3A_125] {strides = array<i32>} : memref<32x1000xf32, #tpu.memory_space<vmem>>, vector<1x16xf32>,
        %get3A_127 = vector.shape_cast %get3A_126 : vector<1x16xf32> to vector<16xf32>
        %get3A_128 = arith.index_cast %scan3A_43 : i32 to index
        %get3A_129 = arith.constant 128 : index
        %get3A_130 = tpu.vector_load %arg8[%get3A_128, %get3A_129] {strides = array<i32>} : memref<32x1024xf32, #tpu.memory_space<vmem>>, vector<1x16xf32>,
        %get3A_131 = vector.shape_cast %get3A_130 : vector<1x16xf32> to vector<16xf32>
        %mul3A_132 = arith.mulf %get3A_127, %get3A_131 : vector<16xf32>
        %add3A_133 = arith.addf %add3A_123, %mul3A_132 : vector<16xf32>
        %get3A_134 = arith.index_cast %scan3A_43 : i32 to index
        %get3A_135 = arith.constant 144 : index
        %get3A_136 = tpu.vector_load %arg7[%get3A_134, %get3A_135] {strides = array<i32>} : memref<32x1000xf32, #tpu.memory_space<vmem>>, vector<1x16xf32>,
        %get3A_137 = vector.shape_cast %get3A_136 : vector<1x16xf32> to vector<16xf32>
        %get3A_138 = arith.index_cast %scan3A_43 : i32 to index
        %get3A_139 = arith.constant 144 : index
        %get3A_140 = tpu.vector_load %arg8[%get3A_138, %get3A_139] {strides = array<i32>} : memref<32x1024xf32, #tpu.memory_space<vmem>>, vector<1x16xf32>,
        %get3A_141 = vector.shape_cast %get3A_140 : vector<1x16xf32> to vector<16xf32>
        %mul3A_142 = arith.mulf %get3A_137, %get3A_141 : vector<16xf32>
        %add3A_143 = arith.addf %add3A_133, %mul3A_142 : vector<16xf32>
        %get3A_144 = arith.index_cast %scan3A_43 : i32 to index
        %get3A_145 = arith.constant 160 : index
        %get3A_146 = tpu.vector_load %arg7[%get3A_144, %get3A_145] {strides = array<i32>} : memref<32x1000xf32, #tpu.memory_space<vmem>>, vector<1x16xf32>,
        %get3A_147 = vector.shape_cast %get3A_146 : vector<1x16xf32> to vector<16xf32>
        %get3A_148 = arith.index_cast %scan3A_43 : i32 to index
        %get3A_149 = arith.constant 160 : index
        %get3A_150 = tpu.vector_load %arg8[%get3A_148, %get3A_149] {strides = array<i32>} : memref<32x1024xf32, #tpu.memory_space<vmem>>, vector<1x16xf32>,
        %get3A_151 = vector.shape_cast %get3A_150 : vector<1x16xf32> to vector<16xf32>
        %mul3A_152 = arith.mulf %get3A_147, %get3A_151 : vector<16xf32>
        %add3A_153 = arith.addf %add3A_143, %mul3A_152 : vector<16xf32>
        %get3A_154 = arith.index_cast %scan3A_43 : i32 to index
        %get3A_155 = arith.constant 176 : index
        %get3A_156 = tpu.vector_load %arg7[%get3A_154, %get3A_155] {strides = array<i32>} : memref<32x1000xf32, #tpu.memory_space<vmem>>, vector<1x16xf32>,
        %get3A_157 = vector.shape_cast %get3A_156 : vector<1x16xf32> to vector<16xf32>
        %get3A_158 = arith.index_cast %scan3A_43 : i32 to index
        %get3A_159 = arith.constant 176 : index
        %get3A_160 = tpu.vector_load %arg8[%get3A_158, %get3A_159] {strides = array<i32>} : memref<32x1024xf32, #tpu.memory_space<vmem>>, vector<1x16xf32>,
        %get3A_161 = vector.shape_cast %get3A_160 : vector<1x16xf32> to vector<16xf32>
        %mul3A_162 = arith.mulf %get3A_157, %get3A_161 : vector<16xf32>
        %add3A_163 = arith.addf %add3A_153, %mul3A_162 : vector<16xf32>
        %get3A_164 = arith.index_cast %scan3A_43 : i32 to index
        %get3A_165 = arith.constant 192 : index
        %get3A_166 = tpu.vector_load %arg7[%get3A_164, %get3A_165] {strides = array<i32>} : memref<32x1000xf32, #tpu.memory_space<vmem>>, vector<1x16xf32>,
        %get3A_167 = vector.shape_cast %get3A_166 : vector<1x16xf32> to vector<16xf32>
        %get3A_168 = arith.index_cast %scan3A_43 : i32 to index
        %get3A_169 = arith.constant 192 : index
        %get3A_170 = tpu.vector_load %arg8[%get3A_168, %get3A_169] {strides = array<i32>} : memref<32x1024xf32, #tpu.memory_space<vmem>>, vector<1x16xf32>,
        %get3A_171 = vector.shape_cast %get3A_170 : vector<1x16xf32> to vector<16xf32>
        %mul3A_172 = arith.mulf %get3A_167, %get3A_171 : vector<16xf32>
        %add3A_173 = arith.addf %add3A_163, %mul3A_172 : vector<16xf32>
        %get3A_174 = arith.index_cast %scan3A_43 : i32 to index
        %get3A_175 = arith.constant 208 : index
        %get3A_176 = tpu.vector_load %arg7[%get3A_174, %get3A_175] {strides = array<i32>} : memref<32x1000xf32, #tpu.memory_space<vmem>>, vector<1x16xf32>,
        %get3A_177 = vector.shape_cast %get3A_176 : vector<1x16xf32> to vector<16xf32>
        %get3A_178 = arith.index_cast %scan3A_43 : i32 to index
        %get3A_179 = arith.constant 208 : index
        %get3A_180 = tpu.vector_load %arg8[%get3A_178, %get3A_179] {strides = array<i32>} : memref<32x1024xf32, #tpu.memory_space<vmem>>, vector<1x16xf32>,
        %get3A_181 = vector.shape_cast %get3A_180 : vector<1x16xf32> to vector<16xf32>
        %mul3A_182 = arith.mulf %get3A_177, %get3A_181 : vector<16xf32>
        %add3A_183 = arith.addf %add3A_173, %mul3A_182 : vector<16xf32>
        %get3A_184 = arith.index_cast %scan3A_43 : i32 to index
        %get3A_185 = arith.constant 224 : index
        %get3A_186 = tpu.vector_load %arg7[%get3A_184, %get3A_185] {strides = array<i32>} : memref<32x1000xf32, #tpu.memory_space<vmem>>, vector<1x16xf32>,
        %get3A_187 = vector.shape_cast %get3A_186 : vector<1x16xf32> to vector<16xf32>
        %get3A_188 = arith.index_cast %scan3A_43 : i32 to index
        %get3A_189 = arith.constant 224 : index
        %get3A_190 = tpu.vector_load %arg8[%get3A_188, %get3A_189] {strides = array<i32>} : memref<32x1024xf32, #tpu.memory_space<vmem>>, vector<1x16xf32>,
        %get3A_191 = vector.shape_cast %get3A_190 : vector<1x16xf32> to vector<16xf32>
        %mul3A_192 = arith.mulf %get3A_187, %get3A_191 : vector<16xf32>
        %add3A_193 = arith.addf %add3A_183, %mul3A_192 : vector<16xf32>
        %get3A_194 = arith.index_cast %scan3A_43 : i32 to index
        %get3A_195 = arith.constant 240 : index
        %get3A_196 = tpu.vector_load %arg7[%get3A_194, %get3A_195] {strides = array<i32>} : memref<32x1000xf32, #tpu.memory_space<vmem>>, vector<1x16xf32>,
        %get3A_197 = vector.shape_cast %get3A_196 : vector<1x16xf32> to vector<16xf32>
        %get3A_198 = arith.index_cast %scan3A_43 : i32 to index
        %get3A_199 = arith.constant 240 : index
        %get3A_200 = tpu.vector_load %arg8[%get3A_198, %get3A_199] {strides = array<i32>} : memref<32x1024xf32, #tpu.memory_space<vmem>>, vector<1x16xf32>,
        %get3A_201 = vector.shape_cast %get3A_200 : vector<1x16xf32> to vector<16xf32>
        %mul3A_202 = arith.mulf %get3A_197, %get3A_201 : vector<16xf32>
        %add3A_203 = arith.addf %add3A_193, %mul3A_202 : vector<16xf32>
        %get3A_204 = arith.index_cast %scan3A_43 : i32 to index
        %get3A_205 = arith.constant 256 : index
        %get3A_206 = tpu.vector_load %arg7[%get3A_204, %get3A_205] {strides = array<i32>} : memref<32x1000xf32, #tpu.memory_space<vmem>>, vector<1x16xf32>,
        %get3A_207 = vector.shape_cast %get3A_206 : vector<1x16xf32> to vector<16xf32>
        %get3A_208 = arith.index_cast %scan3A_43 : i32 to index
        %get3A_209 = arith.constant 256 : index
        %get3A_210 = tpu.vector_load %arg8[%get3A_208, %get3A_209] {strides = array<i32>} : memref<32x1024xf32, #tpu.memory_space<vmem>>, vector<1x16xf32>,
        %get3A_211 = vector.shape_cast %get3A_210 : vector<1x16xf32> to vector<16xf32>
        %mul3A_212 = arith.mulf %get3A_207, %get3A_211 : vector<16xf32>
        %add3A_213 = arith.addf %add3A_203, %mul3A_212 : vector<16xf32>
        %get3A_214 = arith.index_cast %scan3A_43 : i32 to index
        %get3A_215 = arith.constant 272 : index
        %get3A_216 = tpu.vector_load %arg7[%get3A_214, %get3A_215] {strides = array<i32>} : memref<32x1000xf32, #tpu.memory_space<vmem>>, vector<1x16xf32>,
        %get3A_217 = vector.shape_cast %get3A_216 : vector<1x16xf32> to vector<16xf32>
        %get3A_218 = arith.index_cast %scan3A_43 : i32 to index
        %get3A_219 = arith.constant 272 : index
        %get3A_220 = tpu.vector_load %arg8[%get3A_218, %get3A_219] {strides = array<i32>} : memref<32x1024xf32, #tpu.memory_space<vmem>>, vector<1x16xf32>,
        %get3A_221 = vector.shape_cast %get3A_220 : vector<1x16xf32> to vector<16xf32>
        %mul3A_222 = arith.mulf %get3A_217, %get3A_221 : vector<16xf32>
        %add3A_223 = arith.addf %add3A_213, %mul3A_222 : vector<16xf32>
        %get3A_224 = arith.index_cast %scan3A_43 : i32 to index
        %get3A_225 = arith.constant 288 : index
        %get3A_226 = tpu.vector_load %arg7[%get3A_224, %get3A_225] {strides = array<i32>} : memref<32x1000xf32, #tpu.memory_space<vmem>>, vector<1x16xf32>,
        %get3A_227 = vector.shape_cast %get3A_226 : vector<1x16xf32> to vector<16xf32>
        %get3A_228 = arith.index_cast %scan3A_43 : i32 to index
        %get3A_229 = arith.constant 288 : index
        %get3A_230 = tpu.vector_load %arg8[%get3A_228, %get3A_229] {strides = array<i32>} : memref<32x1024xf32, #tpu.memory_space<vmem>>, vector<1x16xf32>,
        %get3A_231 = vector.shape_cast %get3A_230 : vector<1x16xf32> to vector<16xf32>
        %mul3A_232 = arith.mulf %get3A_227, %get3A_231 : vector<16xf32>
        %add3A_233 = arith.addf %add3A_223, %mul3A_232 : vector<16xf32>
        %get3A_234 = arith.index_cast %scan3A_43 : i32 to index
        %get3A_235 = arith.constant 304 : index
        %get3A_236 = tpu.vector_load %arg7[%get3A_234, %get3A_235] {strides = array<i32>} : memref<32x1000xf32, #tpu.memory_space<vmem>>, vector<1x16xf32>,
        %get3A_237 = vector.shape_cast %get3A_236 : vector<1x16xf32> to vector<16xf32>
        %get3A_238 = arith.index_cast %scan3A_43 : i32 to index
        %get3A_239 = arith.constant 304 : index
        %get3A_240 = tpu.vector_load %arg8[%get3A_238, %get3A_239] {strides = array<i32>} : memref<32x1024xf32, #tpu.memory_space<vmem>>, vector<1x16xf32>,
        %get3A_241 = vector.shape_cast %get3A_240 : vector<1x16xf32> to vector<16xf32>
        %mul3A_242 = arith.mulf %get3A_237, %get3A_241 : vector<16xf32>
        %add3A_243 = arith.addf %add3A_233, %mul3A_242 : vector<16xf32>
        %get3A_244 = arith.index_cast %scan3A_43 : i32 to index
        %get3A_245 = arith.constant 320 : index
        %get3A_246 = tpu.vector_load %arg7[%get3A_244, %get3A_245] {strides = array<i32>} : memref<32x1000xf32, #tpu.memory_space<vmem>>, vector<1x16xf32>,
        %get3A_247 = vector.shape_cast %get3A_246 : vector<1x16xf32> to vector<16xf32>
        %get3A_248 = arith.index_cast %scan3A_43 : i32 to index
        %get3A_249 = arith.constant 320 : index
        %get3A_250 = tpu.vector_load %arg8[%get3A_248, %get3A_249] {strides = array<i32>} : memref<32x1024xf32, #tpu.memory_space<vmem>>, vector<1x16xf32>,
        %get3A_251 = vector.shape_cast %get3A_250 : vector<1x16xf32> to vector<16xf32>
        %mul3A_252 = arith.mulf %get3A_247, %get3A_251 : vector<16xf32>
        %add3A_253 = arith.addf %add3A_243, %mul3A_252 : vector<16xf32>
        %get3A_254 = arith.index_cast %scan3A_43 : i32 to index
        %get3A_255 = arith.constant 336 : index
        %get3A_256 = tpu.vector_load %arg7[%get3A_254, %get3A_255] {strides = array<i32>} : memref<32x1000xf32, #tpu.memory_space<vmem>>, vector<1x16xf32>,
        %get3A_257 = vector.shape_cast %get3A_256 : vector<1x16xf32> to vector<16xf32>
        %get3A_258 = arith.index_cast %scan3A_43 : i32 to index
        %get3A_259 = arith.constant 336 : index
        %get3A_260 = tpu.vector_load %arg8[%get3A_258, %get3A_259] {strides = array<i32>} : memref<32x1024xf32, #tpu.memory_space<vmem>>, vector<1x16xf32>,
        %get3A_261 = vector.shape_cast %get3A_260 : vector<1x16xf32> to vector<16xf32>
        %mul3A_262 = arith.mulf %get3A_257, %get3A_261 : vector<16xf32>
        %add3A_263 = arith.addf %add3A_253, %mul3A_262 : vector<16xf32>
        %get3A_264 = arith.index_cast %scan3A_43 : i32 to index
        %get3A_265 = arith.constant 352 : index
        %get3A_266 = tpu.vector_load %arg7[%get3A_264, %get3A_265] {strides = array<i32>} : memref<32x1000xf32, #tpu.memory_space<vmem>>, vector<1x16xf32>,
        %get3A_267 = vector.shape_cast %get3A_266 : vector<1x16xf32> to vector<16xf32>
        %get3A_268 = arith.index_cast %scan3A_43 : i32 to index
        %get3A_269 = arith.constant 352 : index
        %get3A_270 = tpu.vector_load %arg8[%get3A_268, %get3A_269] {strides = array<i32>} : memref<32x1024xf32, #tpu.memory_space<vmem>>, vector<1x16xf32>,
        %get3A_271 = vector.shape_cast %get3A_270 : vector<1x16xf32> to vector<16xf32>
        %mul3A_272 = arith.mulf %get3A_267, %get3A_271 : vector<16xf32>
        %add3A_273 = arith.addf %add3A_263, %mul3A_272 : vector<16xf32>
        %get3A_274 = arith.index_cast %scan3A_43 : i32 to index
        %get3A_275 = arith.constant 368 : index
        %get3A_276 = tpu.vector_load %arg7[%get3A_274, %get3A_275] {strides = array<i32>} : memref<32x1000xf32, #tpu.memory_space<vmem>>, vector<1x16xf32>,
        %get3A_277 = vector.shape_cast %get3A_276 : vector<1x16xf32> to vector<16xf32>
        %get3A_278 = arith.index_cast %scan3A_43 : i32 to index
        %get3A_279 = arith.constant 368 : index
        %get3A_280 = tpu.vector_load %arg8[%get3A_278, %get3A_279] {strides = array<i32>} : memref<32x1024xf32, #tpu.memory_space<vmem>>, vector<1x16xf32>,
        %get3A_281 = vector.shape_cast %get3A_280 : vector<1x16xf32> to vector<16xf32>
        %mul3A_282 = arith.mulf %get3A_277, %get3A_281 : vector<16xf32>
        %add3A_283 = arith.addf %add3A_273, %mul3A_282 : vector<16xf32>
        %get3A_284 = arith.index_cast %scan3A_43 : i32 to index
        %get3A_285 = arith.constant 384 : index
        %get3A_286 = tpu.vector_load %arg7[%get3A_284, %get3A_285] {strides = array<i32>} : memref<32x1000xf32, #tpu.memory_space<vmem>>, vector<1x16xf32>,
        %get3A_287 = vector.shape_cast %get3A_286 : vector<1x16xf32> to vector<16xf32>
        %get3A_288 = arith.index_cast %scan3A_43 : i32 to index
        %get3A_289 = arith.constant 384 : index
        %get3A_290 = tpu.vector_load %arg8[%get3A_288, %get3A_289] {strides = array<i32>} : memref<32x1024xf32, #tpu.memory_space<vmem>>, vector<1x16xf32>,
        %get3A_291 = vector.shape_cast %get3A_290 : vector<1x16xf32> to vector<16xf32>
        %mul3A_292 = arith.mulf %get3A_287, %get3A_291 : vector<16xf32>
        %add3A_293 = arith.addf %add3A_283, %mul3A_292 : vector<16xf32>
        %get3A_294 = arith.index_cast %scan3A_43 : i32 to index
        %get3A_295 = arith.constant 400 : index
        %get3A_296 = tpu.vector_load %arg7[%get3A_294, %get3A_295] {strides = array<i32>} : memref<32x1000xf32, #tpu.memory_space<vmem>>, vector<1x16xf32>,
        %get3A_297 = vector.shape_cast %get3A_296 : vector<1x16xf32> to vector<16xf32>
        %get3A_298 = arith.index_cast %scan3A_43 : i32 to index
        %get3A_299 = arith.constant 400 : index
        %get3A_300 = tpu.vector_load %arg8[%get3A_298, %get3A_299] {strides = array<i32>} : memref<32x1024xf32, #tpu.memory_space<vmem>>, vector<1x16xf32>,
        %get3A_301 = vector.shape_cast %get3A_300 : vector<1x16xf32> to vector<16xf32>
        %mul3A_302 = arith.mulf %get3A_297, %get3A_301 : vector<16xf32>
        %add3A_303 = arith.addf %add3A_293, %mul3A_302 : vector<16xf32>
        %get3A_304 = arith.index_cast %scan3A_43 : i32 to index
        %get3A_305 = arith.constant 416 : index
        %get3A_306 = tpu.vector_load %arg7[%get3A_304, %get3A_305] {strides = array<i32>} : memref<32x1000xf32, #tpu.memory_space<vmem>>, vector<1x16xf32>,
        %get3A_307 = vector.shape_cast %get3A_306 : vector<1x16xf32> to vector<16xf32>
        %get3A_308 = arith.index_cast %scan3A_43 : i32 to index
        %get3A_309 = arith.constant 416 : index
        %get3A_310 = tpu.vector_load %arg8[%get3A_308, %get3A_309] {strides = array<i32>} : memref<32x1024xf32, #tpu.memory_space<vmem>>, vector<1x16xf32>,
        %get3A_311 = vector.shape_cast %get3A_310 : vector<1x16xf32> to vector<16xf32>
        %mul3A_312 = arith.mulf %get3A_307, %get3A_311 : vector<16xf32>
        %add3A_313 = arith.addf %add3A_303, %mul3A_312 : vector<16xf32>
        %get3A_314 = arith.index_cast %scan3A_43 : i32 to index
        %get3A_315 = arith.constant 432 : index
        %get3A_316 = tpu.vector_load %arg7[%get3A_314, %get3A_315] {strides = array<i32>} : memref<32x1000xf32, #tpu.memory_space<vmem>>, vector<1x16xf32>,
        %get3A_317 = vector.shape_cast %get3A_316 : vector<1x16xf32> to vector<16xf32>
        %get3A_318 = arith.index_cast %scan3A_43 : i32 to index
        %get3A_319 = arith.constant 432 : index
        %get3A_320 = tpu.vector_load %arg8[%get3A_318, %get3A_319] {strides = array<i32>} : memref<32x1024xf32, #tpu.memory_space<vmem>>, vector<1x16xf32>,
        %get3A_321 = vector.shape_cast %get3A_320 : vector<1x16xf32> to vector<16xf32>
        %mul3A_322 = arith.mulf %get3A_317, %get3A_321 : vector<16xf32>
        %add3A_323 = arith.addf %add3A_313, %mul3A_322 : vector<16xf32>
        %get3A_324 = arith.index_cast %scan3A_43 : i32 to index
        %get3A_325 = arith.constant 448 : index
        %get3A_326 = tpu.vector_load %arg7[%get3A_324, %get3A_325] {strides = array<i32>} : memref<32x1000xf32, #tpu.memory_space<vmem>>, vector<1x16xf32>,
        %get3A_327 = vector.shape_cast %get3A_326 : vector<1x16xf32> to vector<16xf32>
        %get3A_328 = arith.index_cast %scan3A_43 : i32 to index
        %get3A_329 = arith.constant 448 : index
        %get3A_330 = tpu.vector_load %arg8[%get3A_328, %get3A_329] {strides = array<i32>} : memref<32x1024xf32, #tpu.memory_space<vmem>>, vector<1x16xf32>,
        %get3A_331 = vector.shape_cast %get3A_330 : vector<1x16xf32> to vector<16xf32>
        %mul3A_332 = arith.mulf %get3A_327, %get3A_331 : vector<16xf32>
        %add3A_333 = arith.addf %add3A_323, %mul3A_332 : vector<16xf32>
        %get3A_334 = arith.index_cast %scan3A_43 : i32 to index
        %get3A_335 = arith.constant 464 : index
        %get3A_336 = tpu.vector_load %arg7[%get3A_334, %get3A_335] {strides = array<i32>} : memref<32x1000xf32, #tpu.memory_space<vmem>>, vector<1x16xf32>,
        %get3A_337 = vector.shape_cast %get3A_336 : vector<1x16xf32> to vector<16xf32>
        %get3A_338 = arith.index_cast %scan3A_43 : i32 to index
        %get3A_339 = arith.constant 464 : index
        %get3A_340 = tpu.vector_load %arg8[%get3A_338, %get3A_339] {strides = array<i32>} : memref<32x1024xf32, #tpu.memory_space<vmem>>, vector<1x16xf32>,
        %get3A_341 = vector.shape_cast %get3A_340 : vector<1x16xf32> to vector<16xf32>
        %mul3A_342 = arith.mulf %get3A_337, %get3A_341 : vector<16xf32>
        %add3A_343 = arith.addf %add3A_333, %mul3A_342 : vector<16xf32>
        %get3A_344 = arith.index_cast %scan3A_43 : i32 to index
        %get3A_345 = arith.constant 480 : index
        %get3A_346 = tpu.vector_load %arg7[%get3A_344, %get3A_345] {strides = array<i32>} : memref<32x1000xf32, #tpu.memory_space<vmem>>, vector<1x16xf32>,
        %get3A_347 = vector.shape_cast %get3A_346 : vector<1x16xf32> to vector<16xf32>
        %get3A_348 = arith.index_cast %scan3A_43 : i32 to index
        %get3A_349 = arith.constant 480 : index
        %get3A_350 = tpu.vector_load %arg8[%get3A_348, %get3A_349] {strides = array<i32>} : memref<32x1024xf32, #tpu.memory_space<vmem>>, vector<1x16xf32>,
        %get3A_351 = vector.shape_cast %get3A_350 : vector<1x16xf32> to vector<16xf32>
        %mul3A_352 = arith.mulf %get3A_347, %get3A_351 : vector<16xf32>
        %add3A_353 = arith.addf %add3A_343, %mul3A_352 : vector<16xf32>
        %get3A_354 = arith.index_cast %scan3A_43 : i32 to index
        %get3A_355 = arith.constant 496 : index
        %get3A_356 = tpu.vector_load %arg7[%get3A_354, %get3A_355] {strides = array<i32>} : memref<32x1000xf32, #tpu.memory_space<vmem>>, vector<1x16xf32>,
        %get3A_357 = vector.shape_cast %get3A_356 : vector<1x16xf32> to vector<16xf32>
        %get3A_358 = arith.index_cast %scan3A_43 : i32 to index
        %get3A_359 = arith.constant 496 : index
        %get3A_360 = tpu.vector_load %arg8[%get3A_358, %get3A_359] {strides = array<i32>} : memref<32x1024xf32, #tpu.memory_space<vmem>>, vector<1x16xf32>,
        %get3A_361 = vector.shape_cast %get3A_360 : vector<1x16xf32> to vector<16xf32>
        %mul3A_362 = arith.mulf %get3A_357, %get3A_361 : vector<16xf32>
        %add3A_363 = arith.addf %add3A_353, %mul3A_362 : vector<16xf32>
        %get3A_364 = arith.index_cast %scan3A_43 : i32 to index
        %get3A_365 = arith.constant 512 : index
        %get3A_366 = tpu.vector_load %arg7[%get3A_364, %get3A_365] {strides = array<i32>} : memref<32x1000xf32, #tpu.memory_space<vmem>>, vector<1x16xf32>,
        %get3A_367 = vector.shape_cast %get3A_366 : vector<1x16xf32> to vector<16xf32>
        %get3A_368 = arith.index_cast %scan3A_43 : i32 to index
        %get3A_369 = arith.constant 512 : index
        %get3A_370 = tpu.vector_load %arg8[%get3A_368, %get3A_369] {strides = array<i32>} : memref<32x1024xf32, #tpu.memory_space<vmem>>, vector<1x16xf32>,
        %get3A_371 = vector.shape_cast %get3A_370 : vector<1x16xf32> to vector<16xf32>
        %mul3A_372 = arith.mulf %get3A_367, %get3A_371 : vector<16xf32>
        %add3A_373 = arith.addf %add3A_363, %mul3A_372 : vector<16xf32>
        %get3A_374 = arith.index_cast %scan3A_43 : i32 to index
        %get3A_375 = arith.constant 528 : index
        %get3A_376 = tpu.vector_load %arg7[%get3A_374, %get3A_375] {strides = array<i32>} : memref<32x1000xf32, #tpu.memory_space<vmem>>, vector<1x16xf32>,
        %get3A_377 = vector.shape_cast %get3A_376 : vector<1x16xf32> to vector<16xf32>
        %get3A_378 = arith.index_cast %scan3A_43 : i32 to index
        %get3A_379 = arith.constant 528 : index
        %get3A_380 = tpu.vector_load %arg8[%get3A_378, %get3A_379] {strides = array<i32>} : memref<32x1024xf32, #tpu.memory_space<vmem>>, vector<1x16xf32>,
        %get3A_381 = vector.shape_cast %get3A_380 : vector<1x16xf32> to vector<16xf32>
        %mul3A_382 = arith.mulf %get3A_377, %get3A_381 : vector<16xf32>
        %add3A_383 = arith.addf %add3A_373, %mul3A_382 : vector<16xf32>
        %get3A_384 = arith.index_cast %scan3A_43 : i32 to index
        %get3A_385 = arith.constant 544 : index
        %get3A_386 = tpu.vector_load %arg7[%get3A_384, %get3A_385] {strides = array<i32>} : memref<32x1000xf32, #tpu.memory_space<vmem>>, vector<1x16xf32>,
        %get3A_387 = vector.shape_cast %get3A_386 : vector<1x16xf32> to vector<16xf32>
        %get3A_388 = arith.index_cast %scan3A_43 : i32 to index
        %get3A_389 = arith.constant 544 : index
        %get3A_390 = tpu.vector_load %arg8[%get3A_388, %get3A_389] {strides = array<i32>} : memref<32x1024xf32, #tpu.memory_space<vmem>>, vector<1x16xf32>,
        %get3A_391 = vector.shape_cast %get3A_390 : vector<1x16xf32> to vector<16xf32>
        %mul3A_392 = arith.mulf %get3A_387, %get3A_391 : vector<16xf32>
        %add3A_393 = arith.addf %add3A_383, %mul3A_392 : vector<16xf32>
        %get3A_394 = arith.index_cast %scan3A_43 : i32 to index
        %get3A_395 = arith.constant 560 : index
        %get3A_396 = tpu.vector_load %arg7[%get3A_394, %get3A_395] {strides = array<i32>} : memref<32x1000xf32, #tpu.memory_space<vmem>>, vector<1x16xf32>,
        %get3A_397 = vector.shape_cast %get3A_396 : vector<1x16xf32> to vector<16xf32>
        %get3A_398 = arith.index_cast %scan3A_43 : i32 to index
        %get3A_399 = arith.constant 560 : index
        %get3A_400 = tpu.vector_load %arg8[%get3A_398, %get3A_399] {strides = array<i32>} : memref<32x1024xf32, #tpu.memory_space<vmem>>, vector<1x16xf32>,
        %get3A_401 = vector.shape_cast %get3A_400 : vector<1x16xf32> to vector<16xf32>
        %mul3A_402 = arith.mulf %get3A_397, %get3A_401 : vector<16xf32>
        %add3A_403 = arith.addf %add3A_393, %mul3A_402 : vector<16xf32>
        %get3A_404 = arith.index_cast %scan3A_43 : i32 to index
        %get3A_405 = arith.constant 576 : index
        %get3A_406 = tpu.vector_load %arg7[%get3A_404, %get3A_405] {strides = array<i32>} : memref<32x1000xf32, #tpu.memory_space<vmem>>, vector<1x16xf32>,
        %get3A_407 = vector.shape_cast %get3A_406 : vector<1x16xf32> to vector<16xf32>
        %get3A_408 = arith.index_cast %scan3A_43 : i32 to index
        %get3A_409 = arith.constant 576 : index
        %get3A_410 = tpu.vector_load %arg8[%get3A_408, %get3A_409] {strides = array<i32>} : memref<32x1024xf32, #tpu.memory_space<vmem>>, vector<1x16xf32>,
        %get3A_411 = vector.shape_cast %get3A_410 : vector<1x16xf32> to vector<16xf32>
        %mul3A_412 = arith.mulf %get3A_407, %get3A_411 : vector<16xf32>
        %add3A_413 = arith.addf %add3A_403, %mul3A_412 : vector<16xf32>
        %get3A_414 = arith.index_cast %scan3A_43 : i32 to index
        %get3A_415 = arith.constant 592 : index
        %get3A_416 = tpu.vector_load %arg7[%get3A_414, %get3A_415] {strides = array<i32>} : memref<32x1000xf32, #tpu.memory_space<vmem>>, vector<1x16xf32>,
        %get3A_417 = vector.shape_cast %get3A_416 : vector<1x16xf32> to vector<16xf32>
        %get3A_418 = arith.index_cast %scan3A_43 : i32 to index
        %get3A_419 = arith.constant 592 : index
        %get3A_420 = tpu.vector_load %arg8[%get3A_418, %get3A_419] {strides = array<i32>} : memref<32x1024xf32, #tpu.memory_space<vmem>>, vector<1x16xf32>,
        %get3A_421 = vector.shape_cast %get3A_420 : vector<1x16xf32> to vector<16xf32>
        %mul3A_422 = arith.mulf %get3A_417, %get3A_421 : vector<16xf32>
        %add3A_423 = arith.addf %add3A_413, %mul3A_422 : vector<16xf32>
        %get3A_424 = arith.index_cast %scan3A_43 : i32 to index
        %get3A_425 = arith.constant 608 : index
        %get3A_426 = tpu.vector_load %arg7[%get3A_424, %get3A_425] {strides = array<i32>} : memref<32x1000xf32, #tpu.memory_space<vmem>>, vector<1x16xf32>,
        %get3A_427 = vector.shape_cast %get3A_426 : vector<1x16xf32> to vector<16xf32>
        %get3A_428 = arith.index_cast %scan3A_43 : i32 to index
        %get3A_429 = arith.constant 608 : index
        %get3A_430 = tpu.vector_load %arg8[%get3A_428, %get3A_429] {strides = array<i32>} : memref<32x1024xf32, #tpu.memory_space<vmem>>, vector<1x16xf32>,
        %get3A_431 = vector.shape_cast %get3A_430 : vector<1x16xf32> to vector<16xf32>
        %mul3A_432 = arith.mulf %get3A_427, %get3A_431 : vector<16xf32>
        %add3A_433 = arith.addf %add3A_423, %mul3A_432 : vector<16xf32>
        %get3A_434 = arith.index_cast %scan3A_43 : i32 to index
        %get3A_435 = arith.constant 624 : index
        %get3A_436 = tpu.vector_load %arg7[%get3A_434, %get3A_435] {strides = array<i32>} : memref<32x1000xf32, #tpu.memory_space<vmem>>, vector<1x16xf32>,
        %get3A_437 = vector.shape_cast %get3A_436 : vector<1x16xf32> to vector<16xf32>
        %get3A_438 = arith.index_cast %scan3A_43 : i32 to index
        %get3A_439 = arith.constant 624 : index
        %get3A_440 = tpu.vector_load %arg8[%get3A_438, %get3A_439] {strides = array<i32>} : memref<32x1024xf32, #tpu.memory_space<vmem>>, vector<1x16xf32>,
        %get3A_441 = vector.shape_cast %get3A_440 : vector<1x16xf32> to vector<16xf32>
        %mul3A_442 = arith.mulf %get3A_437, %get3A_441 : vector<16xf32>
        %add3A_443 = arith.addf %add3A_433, %mul3A_442 : vector<16xf32>
        %get3A_444 = arith.index_cast %scan3A_43 : i32 to index
        %get3A_445 = arith.constant 640 : index
        %get3A_446 = tpu.vector_load %arg7[%get3A_444, %get3A_445] {strides = array<i32>} : memref<32x1000xf32, #tpu.memory_space<vmem>>, vector<1x16xf32>,
        %get3A_447 = vector.shape_cast %get3A_446 : vector<1x16xf32> to vector<16xf32>
        %get3A_448 = arith.index_cast %scan3A_43 : i32 to index
        %get3A_449 = arith.constant 640 : index
        %get3A_450 = tpu.vector_load %arg8[%get3A_448, %get3A_449] {strides = array<i32>} : memref<32x1024xf32, #tpu.memory_space<vmem>>, vector<1x16xf32>,
        %get3A_451 = vector.shape_cast %get3A_450 : vector<1x16xf32> to vector<16xf32>
        %mul3A_452 = arith.mulf %get3A_447, %get3A_451 : vector<16xf32>
        %add3A_453 = arith.addf %add3A_443, %mul3A_452 : vector<16xf32>
        %get3A_454 = arith.index_cast %scan3A_43 : i32 to index
        %get3A_455 = arith.constant 656 : index
        %get3A_456 = tpu.vector_load %arg7[%get3A_454, %get3A_455] {strides = array<i32>} : memref<32x1000xf32, #tpu.memory_space<vmem>>, vector<1x16xf32>,
        %get3A_457 = vector.shape_cast %get3A_456 : vector<1x16xf32> to vector<16xf32>
        %get3A_458 = arith.index_cast %scan3A_43 : i32 to index
        %get3A_459 = arith.constant 656 : index
        %get3A_460 = tpu.vector_load %arg8[%get3A_458, %get3A_459] {strides = array<i32>} : memref<32x1024xf32, #tpu.memory_space<vmem>>, vector<1x16xf32>,
        %get3A_461 = vector.shape_cast %get3A_460 : vector<1x16xf32> to vector<16xf32>
        %mul3A_462 = arith.mulf %get3A_457, %get3A_461 : vector<16xf32>
        %add3A_463 = arith.addf %add3A_453, %mul3A_462 : vector<16xf32>
        %get3A_464 = arith.index_cast %scan3A_43 : i32 to index
        %get3A_465 = arith.constant 672 : index
        %get3A_466 = tpu.vector_load %arg7[%get3A_464, %get3A_465] {strides = array<i32>} : memref<32x1000xf32, #tpu.memory_space<vmem>>, vector<1x16xf32>,
        %get3A_467 = vector.shape_cast %get3A_466 : vector<1x16xf32> to vector<16xf32>
        %get3A_468 = arith.index_cast %scan3A_43 : i32 to index
        %get3A_469 = arith.constant 672 : index
        %get3A_470 = tpu.vector_load %arg8[%get3A_468, %get3A_469] {strides = array<i32>} : memref<32x1024xf32, #tpu.memory_space<vmem>>, vector<1x16xf32>,
        %get3A_471 = vector.shape_cast %get3A_470 : vector<1x16xf32> to vector<16xf32>
        %mul3A_472 = arith.mulf %get3A_467, %get3A_471 : vector<16xf32>
        %add3A_473 = arith.addf %add3A_463, %mul3A_472 : vector<16xf32>
        %get3A_474 = arith.index_cast %scan3A_43 : i32 to index
        %get3A_475 = arith.constant 688 : index
        %get3A_476 = tpu.vector_load %arg7[%get3A_474, %get3A_475] {strides = array<i32>} : memref<32x1000xf32, #tpu.memory_space<vmem>>, vector<1x16xf32>,
        %get3A_477 = vector.shape_cast %get3A_476 : vector<1x16xf32> to vector<16xf32>
        %get3A_478 = arith.index_cast %scan3A_43 : i32 to index
        %get3A_479 = arith.constant 688 : index
        %get3A_480 = tpu.vector_load %arg8[%get3A_478, %get3A_479] {strides = array<i32>} : memref<32x1024xf32, #tpu.memory_space<vmem>>, vector<1x16xf32>,
        %get3A_481 = vector.shape_cast %get3A_480 : vector<1x16xf32> to vector<16xf32>
        %mul3A_482 = arith.mulf %get3A_477, %get3A_481 : vector<16xf32>
        %add3A_483 = arith.addf %add3A_473, %mul3A_482 : vector<16xf32>
        %get3A_484 = arith.index_cast %scan3A_43 : i32 to index
        %get3A_485 = arith.constant 704 : index
        %get3A_486 = tpu.vector_load %arg7[%get3A_484, %get3A_485] {strides = array<i32>} : memref<32x1000xf32, #tpu.memory_space<vmem>>, vector<1x16xf32>,
        %get3A_487 = vector.shape_cast %get3A_486 : vector<1x16xf32> to vector<16xf32>
        %get3A_488 = arith.index_cast %scan3A_43 : i32 to index
        %get3A_489 = arith.constant 704 : index
        %get3A_490 = tpu.vector_load %arg8[%get3A_488, %get3A_489] {strides = array<i32>} : memref<32x1024xf32, #tpu.memory_space<vmem>>, vector<1x16xf32>,
        %get3A_491 = vector.shape_cast %get3A_490 : vector<1x16xf32> to vector<16xf32>
        %mul3A_492 = arith.mulf %get3A_487, %get3A_491 : vector<16xf32>
        %add3A_493 = arith.addf %add3A_483, %mul3A_492 : vector<16xf32>
        %get3A_494 = arith.index_cast %scan3A_43 : i32 to index
        %get3A_495 = arith.constant 720 : index
        %get3A_496 = tpu.vector_load %arg7[%get3A_494, %get3A_495] {strides = array<i32>} : memref<32x1000xf32, #tpu.memory_space<vmem>>, vector<1x16xf32>,
        %get3A_497 = vector.shape_cast %get3A_496 : vector<1x16xf32> to vector<16xf32>
        %get3A_498 = arith.index_cast %scan3A_43 : i32 to index
        %get3A_499 = arith.constant 720 : index
        %get3A_500 = tpu.vector_load %arg8[%get3A_498, %get3A_499] {strides = array<i32>} : memref<32x1024xf32, #tpu.memory_space<vmem>>, vector<1x16xf32>,
        %get3A_501 = vector.shape_cast %get3A_500 : vector<1x16xf32> to vector<16xf32>
        %mul3A_502 = arith.mulf %get3A_497, %get3A_501 : vector<16xf32>
        %add3A_503 = arith.addf %add3A_493, %mul3A_502 : vector<16xf32>
        %get3A_504 = arith.index_cast %scan3A_43 : i32 to index
        %get3A_505 = arith.constant 736 : index
        %get3A_506 = tpu.vector_load %arg7[%get3A_504, %get3A_505] {strides = array<i32>} : memref<32x1000xf32, #tpu.memory_space<vmem>>, vector<1x16xf32>,
        %get3A_507 = vector.shape_cast %get3A_506 : vector<1x16xf32> to vector<16xf32>
        %get3A_508 = arith.index_cast %scan3A_43 : i32 to index
        %get3A_509 = arith.constant 736 : index
        %get3A_510 = tpu.vector_load %arg8[%get3A_508, %get3A_509] {strides = array<i32>} : memref<32x1024xf32, #tpu.memory_space<vmem>>, vector<1x16xf32>,
        %get3A_511 = vector.shape_cast %get3A_510 : vector<1x16xf32> to vector<16xf32>
        %mul3A_512 = arith.mulf %get3A_507, %get3A_511 : vector<16xf32>
        %add3A_513 = arith.addf %add3A_503, %mul3A_512 : vector<16xf32>
        %get3A_514 = arith.index_cast %scan3A_43 : i32 to index
        %get3A_515 = arith.constant 752 : index
        %get3A_516 = tpu.vector_load %arg7[%get3A_514, %get3A_515] {strides = array<i32>} : memref<32x1000xf32, #tpu.memory_space<vmem>>, vector<1x16xf32>,
        %get3A_517 = vector.shape_cast %get3A_516 : vector<1x16xf32> to vector<16xf32>
        %get3A_518 = arith.index_cast %scan3A_43 : i32 to index
        %get3A_519 = arith.constant 752 : index
        %get3A_520 = tpu.vector_load %arg8[%get3A_518, %get3A_519] {strides = array<i32>} : memref<32x1024xf32, #tpu.memory_space<vmem>>, vector<1x16xf32>,
        %get3A_521 = vector.shape_cast %get3A_520 : vector<1x16xf32> to vector<16xf32>
        %mul3A_522 = arith.mulf %get3A_517, %get3A_521 : vector<16xf32>
        %add3A_523 = arith.addf %add3A_513, %mul3A_522 : vector<16xf32>
        %get3A_524 = arith.index_cast %scan3A_43 : i32 to index
        %get3A_525 = arith.constant 768 : index
        %get3A_526 = tpu.vector_load %arg7[%get3A_524, %get3A_525] {strides = array<i32>} : memref<32x1000xf32, #tpu.memory_space<vmem>>, vector<1x16xf32>,
        %get3A_527 = vector.shape_cast %get3A_526 : vector<1x16xf32> to vector<16xf32>
        %get3A_528 = arith.index_cast %scan3A_43 : i32 to index
        %get3A_529 = arith.constant 768 : index
        %get3A_530 = tpu.vector_load %arg8[%get3A_528, %get3A_529] {strides = array<i32>} : memref<32x1024xf32, #tpu.memory_space<vmem>>, vector<1x16xf32>,
        %get3A_531 = vector.shape_cast %get3A_530 : vector<1x16xf32> to vector<16xf32>
        %mul3A_532 = arith.mulf %get3A_527, %get3A_531 : vector<16xf32>
        %add3A_533 = arith.addf %add3A_523, %mul3A_532 : vector<16xf32>
        %get3A_534 = arith.index_cast %scan3A_43 : i32 to index
        %get3A_535 = arith.constant 784 : index
        %get3A_536 = tpu.vector_load %arg7[%get3A_534, %get3A_535] {strides = array<i32>} : memref<32x1000xf32, #tpu.memory_space<vmem>>, vector<1x16xf32>,
        %get3A_537 = vector.shape_cast %get3A_536 : vector<1x16xf32> to vector<16xf32>
        %get3A_538 = arith.index_cast %scan3A_43 : i32 to index
        %get3A_539 = arith.constant 784 : index
        %get3A_540 = tpu.vector_load %arg8[%get3A_538, %get3A_539] {strides = array<i32>} : memref<32x1024xf32, #tpu.memory_space<vmem>>, vector<1x16xf32>,
        %get3A_541 = vector.shape_cast %get3A_540 : vector<1x16xf32> to vector<16xf32>
        %mul3A_542 = arith.mulf %get3A_537, %get3A_541 : vector<16xf32>
        %add3A_543 = arith.addf %add3A_533, %mul3A_542 : vector<16xf32>
        %get3A_544 = arith.index_cast %scan3A_43 : i32 to index
        %get3A_545 = arith.constant 800 : index
        %get3A_546 = tpu.vector_load %arg7[%get3A_544, %get3A_545] {strides = array<i32>} : memref<32x1000xf32, #tpu.memory_space<vmem>>, vector<1x16xf32>,
        %get3A_547 = vector.shape_cast %get3A_546 : vector<1x16xf32> to vector<16xf32>
        %get3A_548 = arith.index_cast %scan3A_43 : i32 to index
        %get3A_549 = arith.constant 800 : index
        %get3A_550 = tpu.vector_load %arg8[%get3A_548, %get3A_549] {strides = array<i32>} : memref<32x1024xf32, #tpu.memory_space<vmem>>, vector<1x16xf32>,
        %get3A_551 = vector.shape_cast %get3A_550 : vector<1x16xf32> to vector<16xf32>
        %mul3A_552 = arith.mulf %get3A_547, %get3A_551 : vector<16xf32>
        %add3A_553 = arith.addf %add3A_543, %mul3A_552 : vector<16xf32>
        %get3A_554 = arith.index_cast %scan3A_43 : i32 to index
        %get3A_555 = arith.constant 816 : index
        %get3A_556 = tpu.vector_load %arg7[%get3A_554, %get3A_555] {strides = array<i32>} : memref<32x1000xf32, #tpu.memory_space<vmem>>, vector<1x16xf32>,
        %get3A_557 = vector.shape_cast %get3A_556 : vector<1x16xf32> to vector<16xf32>
        %get3A_558 = arith.index_cast %scan3A_43 : i32 to index
        %get3A_559 = arith.constant 816 : index
        %get3A_560 = tpu.vector_load %arg8[%get3A_558, %get3A_559] {strides = array<i32>} : memref<32x1024xf32, #tpu.memory_space<vmem>>, vector<1x16xf32>,
        %get3A_561 = vector.shape_cast %get3A_560 : vector<1x16xf32> to vector<16xf32>
        %mul3A_562 = arith.mulf %get3A_557, %get3A_561 : vector<16xf32>
        %add3A_563 = arith.addf %add3A_553, %mul3A_562 : vector<16xf32>
        %get3A_564 = arith.index_cast %scan3A_43 : i32 to index
        %get3A_565 = arith.constant 832 : index
        %get3A_566 = tpu.vector_load %arg7[%get3A_564, %get3A_565] {strides = array<i32>} : memref<32x1000xf32, #tpu.memory_space<vmem>>, vector<1x16xf32>,
        %get3A_567 = vector.shape_cast %get3A_566 : vector<1x16xf32> to vector<16xf32>
        %get3A_568 = arith.index_cast %scan3A_43 : i32 to index
        %get3A_569 = arith.constant 832 : index
        %get3A_570 = tpu.vector_load %arg8[%get3A_568, %get3A_569] {strides = array<i32>} : memref<32x1024xf32, #tpu.memory_space<vmem>>, vector<1x16xf32>,
        %get3A_571 = vector.shape_cast %get3A_570 : vector<1x16xf32> to vector<16xf32>
        %mul3A_572 = arith.mulf %get3A_567, %get3A_571 : vector<16xf32>
        %add3A_573 = arith.addf %add3A_563, %mul3A_572 : vector<16xf32>
        %get3A_574 = arith.index_cast %scan3A_43 : i32 to index
        %get3A_575 = arith.constant 848 : index
        %get3A_576 = tpu.vector_load %arg7[%get3A_574, %get3A_575] {strides = array<i32>} : memref<32x1000xf32, #tpu.memory_space<vmem>>, vector<1x16xf32>,
        %get3A_577 = vector.shape_cast %get3A_576 : vector<1x16xf32> to vector<16xf32>
        %get3A_578 = arith.index_cast %scan3A_43 : i32 to index
        %get3A_579 = arith.constant 848 : index
        %get3A_580 = tpu.vector_load %arg8[%get3A_578, %get3A_579] {strides = array<i32>} : memref<32x1024xf32, #tpu.memory_space<vmem>>, vector<1x16xf32>,
        %get3A_581 = vector.shape_cast %get3A_580 : vector<1x16xf32> to vector<16xf32>
        %mul3A_582 = arith.mulf %get3A_577, %get3A_581 : vector<16xf32>
        %add3A_583 = arith.addf %add3A_573, %mul3A_582 : vector<16xf32>
        %get3A_584 = arith.index_cast %scan3A_43 : i32 to index
        %get3A_585 = arith.constant 864 : index
        %get3A_586 = tpu.vector_load %arg7[%get3A_584, %get3A_585] {strides = array<i32>} : memref<32x1000xf32, #tpu.memory_space<vmem>>, vector<1x16xf32>,
        %get3A_587 = vector.shape_cast %get3A_586 : vector<1x16xf32> to vector<16xf32>
        %get3A_588 = arith.index_cast %scan3A_43 : i32 to index
        %get3A_589 = arith.constant 864 : index
        %get3A_590 = tpu.vector_load %arg8[%get3A_588, %get3A_589] {strides = array<i32>} : memref<32x1024xf32, #tpu.memory_space<vmem>>, vector<1x16xf32>,
        %get3A_591 = vector.shape_cast %get3A_590 : vector<1x16xf32> to vector<16xf32>
        %mul3A_592 = arith.mulf %get3A_587, %get3A_591 : vector<16xf32>
        %add3A_593 = arith.addf %add3A_583, %mul3A_592 : vector<16xf32>
        %get3A_594 = arith.index_cast %scan3A_43 : i32 to index
        %get3A_595 = arith.constant 880 : index
        %get3A_596 = tpu.vector_load %arg7[%get3A_594, %get3A_595] {strides = array<i32>} : memref<32x1000xf32, #tpu.memory_space<vmem>>, vector<1x16xf32>,
        %get3A_597 = vector.shape_cast %get3A_596 : vector<1x16xf32> to vector<16xf32>
        %get3A_598 = arith.index_cast %scan3A_43 : i32 to index
        %get3A_599 = arith.constant 880 : index
        %get3A_600 = tpu.vector_load %arg8[%get3A_598, %get3A_599] {strides = array<i32>} : memref<32x1024xf32, #tpu.memory_space<vmem>>, vector<1x16xf32>,
        %get3A_601 = vector.shape_cast %get3A_600 : vector<1x16xf32> to vector<16xf32>
        %mul3A_602 = arith.mulf %get3A_597, %get3A_601 : vector<16xf32>
        %add3A_603 = arith.addf %add3A_593, %mul3A_602 : vector<16xf32>
        %get3A_604 = arith.index_cast %scan3A_43 : i32 to index
        %get3A_605 = arith.constant 896 : index
        %get3A_606 = tpu.vector_load %arg7[%get3A_604, %get3A_605] {strides = array<i32>} : memref<32x1000xf32, #tpu.memory_space<vmem>>, vector<1x16xf32>,
        %get3A_607 = vector.shape_cast %get3A_606 : vector<1x16xf32> to vector<16xf32>
        %get3A_608 = arith.index_cast %scan3A_43 : i32 to index
        %get3A_609 = arith.constant 896 : index
        %get3A_610 = tpu.vector_load %arg8[%get3A_608, %get3A_609] {strides = array<i32>} : memref<32x1024xf32, #tpu.memory_space<vmem>>, vector<1x16xf32>,
        %get3A_611 = vector.shape_cast %get3A_610 : vector<1x16xf32> to vector<16xf32>
        %mul3A_612 = arith.mulf %get3A_607, %get3A_611 : vector<16xf32>
        %add3A_613 = arith.addf %add3A_603, %mul3A_612 : vector<16xf32>
        %get3A_614 = arith.index_cast %scan3A_43 : i32 to index
        %get3A_615 = arith.constant 912 : index
        %get3A_616 = tpu.vector_load %arg7[%get3A_614, %get3A_615] {strides = array<i32>} : memref<32x1000xf32, #tpu.memory_space<vmem>>, vector<1x16xf32>,
        %get3A_617 = vector.shape_cast %get3A_616 : vector<1x16xf32> to vector<16xf32>
        %get3A_618 = arith.index_cast %scan3A_43 : i32 to index
        %get3A_619 = arith.constant 912 : index
        %get3A_620 = tpu.vector_load %arg8[%get3A_618, %get3A_619] {strides = array<i32>} : memref<32x1024xf32, #tpu.memory_space<vmem>>, vector<1x16xf32>,
        %get3A_621 = vector.shape_cast %get3A_620 : vector<1x16xf32> to vector<16xf32>
        %mul3A_622 = arith.mulf %get3A_617, %get3A_621 : vector<16xf32>
        %add3A_623 = arith.addf %add3A_613, %mul3A_622 : vector<16xf32>
        %get3A_624 = arith.index_cast %scan3A_43 : i32 to index
        %get3A_625 = arith.constant 928 : index
        %get3A_626 = tpu.vector_load %arg7[%get3A_624, %get3A_625] {strides = array<i32>} : memref<32x1000xf32, #tpu.memory_space<vmem>>, vector<1x16xf32>,
        %get3A_627 = vector.shape_cast %get3A_626 : vector<1x16xf32> to vector<16xf32>
        %get3A_628 = arith.index_cast %scan3A_43 : i32 to index
        %get3A_629 = arith.constant 928 : index
        %get3A_630 = tpu.vector_load %arg8[%get3A_628, %get3A_629] {strides = array<i32>} : memref<32x1024xf32, #tpu.memory_space<vmem>>, vector<1x16xf32>,
        %get3A_631 = vector.shape_cast %get3A_630 : vector<1x16xf32> to vector<16xf32>
        %mul3A_632 = arith.mulf %get3A_627, %get3A_631 : vector<16xf32>
        %add3A_633 = arith.addf %add3A_623, %mul3A_632 : vector<16xf32>
        %get3A_634 = arith.index_cast %scan3A_43 : i32 to index
        %get3A_635 = arith.constant 944 : index
        %get3A_636 = tpu.vector_load %arg7[%get3A_634, %get3A_635] {strides = array<i32>} : memref<32x1000xf32, #tpu.memory_space<vmem>>, vector<1x16xf32>,
        %get3A_637 = vector.shape_cast %get3A_636 : vector<1x16xf32> to vector<16xf32>
        %get3A_638 = arith.index_cast %scan3A_43 : i32 to index
        %get3A_639 = arith.constant 944 : index
        %get3A_640 = tpu.vector_load %arg8[%get3A_638, %get3A_639] {strides = array<i32>} : memref<32x1024xf32, #tpu.memory_space<vmem>>, vector<1x16xf32>,
        %get3A_641 = vector.shape_cast %get3A_640 : vector<1x16xf32> to vector<16xf32>
        %mul3A_642 = arith.mulf %get3A_637, %get3A_641 : vector<16xf32>
        %add3A_643 = arith.addf %add3A_633, %mul3A_642 : vector<16xf32>
        %get3A_644 = arith.index_cast %scan3A_43 : i32 to index
        %get3A_645 = arith.constant 960 : index
        %get3A_646 = tpu.vector_load %arg7[%get3A_644, %get3A_645] {strides = array<i32>} : memref<32x1000xf32, #tpu.memory_space<vmem>>, vector<1x16xf32>,
        %get3A_647 = vector.shape_cast %get3A_646 : vector<1x16xf32> to vector<16xf32>
        %get3A_648 = arith.index_cast %scan3A_43 : i32 to index
        %get3A_649 = arith.constant 960 : index
        %get3A_650 = tpu.vector_load %arg8[%get3A_648, %get3A_649] {strides = array<i32>} : memref<32x1024xf32, #tpu.memory_space<vmem>>, vector<1x16xf32>,
        %get3A_651 = vector.shape_cast %get3A_650 : vector<1x16xf32> to vector<16xf32>
        %mul3A_652 = arith.mulf %get3A_647, %get3A_651 : vector<16xf32>
        %add3A_653 = arith.addf %add3A_643, %mul3A_652 : vector<16xf32>
        %get3A_654 = arith.index_cast %scan3A_43 : i32 to index
        %get3A_655 = arith.constant 976 : index
        %get3A_656 = tpu.vector_load %arg7[%get3A_654, %get3A_655] {strides = array<i32>} : memref<32x1000xf32, #tpu.memory_space<vmem>>, vector<1x16xf32>,
        %get3A_657 = vector.shape_cast %get3A_656 : vector<1x16xf32> to vector<16xf32>
        %get3A_658 = arith.index_cast %scan3A_43 : i32 to index
        %get3A_659 = arith.constant 976 : index
        %get3A_660 = tpu.vector_load %arg8[%get3A_658, %get3A_659] {strides = array<i32>} : memref<32x1024xf32, #tpu.memory_space<vmem>>, vector<1x16xf32>,
        %get3A_661 = vector.shape_cast %get3A_660 : vector<1x16xf32> to vector<16xf32>
        %mul3A_662 = arith.mulf %get3A_657, %get3A_661 : vector<16xf32>
        %add3A_663 = arith.addf %add3A_653, %mul3A_662 : vector<16xf32>
        %get3A_664 = arith.index_cast %scan3A_43 : i32 to index
        %get3A_665 = arith.constant 984 : index
        %get3A_666 = tpu.vector_load %arg7[%get3A_664, %get3A_665] {strides = array<i32>} : memref<32x1000xf32, #tpu.memory_space<vmem>>, vector<1x16xf32>,
        %get3A_667 = vector.shape_cast %get3A_666 : vector<1x16xf32> to vector<16xf32>
        %mul3A_668 = arith.mulf %get3A_667, %select_n3A : vector<16xf32>
        %get3A_669 = arith.index_cast %scan3A_43 : i32 to index
        %get3A_670 = arith.constant 984 : index
        %get3A_671 = tpu.vector_load %arg8[%get3A_669, %get3A_670] {strides = array<i32>} : memref<32x1024xf32, #tpu.memory_space<vmem>>, vector<1x16xf32>,
        %get3A_672 = vector.shape_cast %get3A_671 : vector<1x16xf32> to vector<16xf32>
        %mul3A_673 = arith.mulf %mul3A_668, %get3A_672 : vector<16xf32>
        %add3A_674 = arith.addf %add3A_663, %mul3A_673 : vector<16xf32>
        scf.yield %add3A_674 : vector<16xf32>
      }
      %scan3A_42 = arith.constant 32 : i32
      scf.yield %scan3A_41 : vector<16xf32>
    }
    %scan3A_12 = arith.constant 8 : i32
    %swap3A = arith.constant 0 : index
    %swap3A_13 = tpu.vector_load %arg9[%swap3A] {strides = array<i32>} : memref<16xf32, #tpu.memory_space<vmem>>, vector<16xf32>,
    %swap3A_14 = vector.shape_cast %swap3A_13 : vector<16xf32> to vector<16xf32>
    %swap3A_15 = vector.shape_cast %scan3A_11 : vector<16xf32> to vector<16xf32>
    tpu.vector_store %arg9[%swap3A], %swap3A_15 {strides = array<i32>} : memref<16xf32, #tpu.memory_space<vmem>>, vector<16xf32>,
    "tpu.region"() ({
      %run_scoped3A = tpu.sem_alloc : memref<!tpu.dma_semaphore, #tpu.memory_space<semaphore_mem>>
      %dma_start3A = arith.constant 0 : i32
      %dma_start3A_16 = tpu.memref_slice %arg5[%add3A, %dma_start3A] : memref<32x16xf32, #tpu.memory_space<hbm>> -> memref<1x16xf32, #tpu.memory_space<hbm>>
      %dma_start3A_17 = tpu.memref_squeeze %dma_start3A_16 : memref<1x16xf32, #tpu.memory_space<hbm>> -> memref<16xf32, #tpu.memory_space<hbm>>
      %dma_start3A_18 = arith.constant 0 : i32
      %dma_start3A_19 = tpu.memref_slice %arg5[%add3A, %dma_start3A_18] : memref<32x16xf32, #tpu.memory_space<hbm>> -> memref<1x16xf32, #tpu.memory_space<hbm>>
      %dma_start3A_20 = tpu.memref_squeeze %dma_start3A_19 : memref<1x16xf32, #tpu.memory_space<hbm>> -> memref<16xf32, #tpu.memory_space<hbm>>
      tpu.enqueue_dma source(%arg9 : memref<16xf32, #tpu.memory_space<vmem>>) target(%dma_start3A_20 : memref<16xf32, #tpu.memory_space<hbm>>) target_semaphore(%run_scoped3A : memref<!tpu.dma_semaphore, #tpu.memory_space<semaphore_mem>>)
      %dma_wait3A = arith.constant 0 : i32
      %dma_wait3A_21 = tpu.memref_slice %arg5[%add3A, %dma_wait3A] : memref<32x16xf32, #tpu.memory_space<hbm>> -> memref<1x16xf32, #tpu.memory_space<hbm>>
      %dma_wait3A_22 = tpu.memref_squeeze %dma_wait3A_21 : memref<1x16xf32, #tpu.memory_space<hbm>> -> memref<16xf32, #tpu.memory_space<hbm>>
      %dma_wait3A_23 = arith.constant 0 : i32
      %dma_wait3A_24 = tpu.memref_slice %arg5[%add3A, %dma_wait3A_23] : memref<32x16xf32, #tpu.memory_space<hbm>> -> memref<1x16xf32, #tpu.memory_space<hbm>>
      %dma_wait3A_25 = tpu.memref_squeeze %dma_wait3A_24 : memref<1x16xf32, #tpu.memory_space<hbm>> -> memref<16xf32, #tpu.memory_space<hbm>>
      tpu.wait_dma2 semaphore(%run_scoped3A : memref<!tpu.dma_semaphore, #tpu.memory_space<semaphore_mem>>) src(%arg9 : memref<16xf32, #tpu.memory_space<vmem>>) dst(%dma_wait3A_25 : memref<16xf32, #tpu.memory_space<hbm>>)
      tpu.yield
    }) : () -> ()
    return
  }
}

module attributes {stable_mosaic.version = 14 : i64} {
  func.func @_lse_body(%arg0: i32, %arg1: memref<512x1000xf32, #tpu.memory_space<vmem>>, %arg2: memref<1x1x512xi32, #tpu.memory_space<vmem>>, %arg3: memref<1000x1000xbf16, #tpu.memory_space<vmem>>, %arg4: memref<1xf32, #tpu.memory_space<smem>>, %arg5: memref<1xf32, #tpu.memory_space<smem>>) attributes {dimension_semantics = [#tpu.dimension_semantics<arbitrary>], iteration_bounds = array<i64: 32>, scalar_prefetch = 0 : i64, scratch_operands = 1 : i64, tpu.core_type = #tpu.core_type<tc>, window_params = [{transform_indices = @transform_0, window_bounds = array<i64: 512, 1000>}, {transform_indices = @transform_1, window_bounds = array<i64: 1, 1, 512>}, {pipeline_mode = #tpu.pipeline_mode<synchronous>, transform_indices = @transform_2, window_bounds = array<i64: 1000, 1000>}, {transform_indices = @transform_3, window_bounds = array<i64: 1>}]} {
    %eq3A = arith.constant 0 : i32
    %eq3A_0 = arith.cmpi eq, %arg0, %eq3A : i32
    %convert_element_type3A = arith.extui %eq3A_0 : i1 to i32
    %cond3A = arith.constant 0 : i32
    %cond3A_1 = arith.cmpi ne, %convert_element_type3A, %cond3A : i32
    scf.if %cond3A_1 {
      %swap3A_25 = arith.constant 0.000000e+00 : f32
      %swap3A_26 = arith.constant 0 : index
      %swap3A_27 = memref.load %arg5[%swap3A_26] : memref<1xf32, #tpu.memory_space<smem>>
      memref.store %swap3A_25, %arg5[%swap3A_26] : memref<1xf32, #tpu.memory_space<smem>>
    } else {
    }
    %get3A = arith.constant 0 : index
    %get3A_2 = arith.constant 0 : index
    %get3A_3 = vector.load %arg1[%get3A, %get3A_2] : memref<512x1000xf32, #tpu.memory_space<vmem>>, vector<512x1000xf32>
    %reduce_max3A = arith.constant dense<0xFF800000> : vector<512xf32>
    %reduce_max3A_4 = vector.multi_reduction <maximumf>, %get3A_3, %reduce_max3A [1] : vector<512x1000xf32> to vector<512xf32>
    %broadcast_in_dim3A = vector.shape_cast %reduce_max3A_4 : vector<512xf32> to vector<512x1xf32>
    %sub3A = vector.broadcast %broadcast_in_dim3A : vector<512x1xf32> to vector<512x1000xf32>
    %sub3A_5 = arith.subf %get3A_3, %sub3A : vector<512x1000xf32>
    %exp3A = math.exp %sub3A_5 : vector<512x1000xf32>
    %reduce_sum3A = arith.constant dense<0.000000e+00> : vector<512xf32>
    %reduce_sum3A_6 = vector.multi_reduction <add>, %exp3A, %reduce_sum3A [1] : vector<512x1000xf32> to vector<512xf32>
    %log3A = math.log %reduce_sum3A_6 : vector<512xf32>
    %squeeze3A = vector.shape_cast %broadcast_in_dim3A : vector<512x1xf32> to vector<512xf32>
    %add3A = arith.addf %log3A, %squeeze3A : vector<512xf32>
    %get3A_7 = arith.constant 0 : index
    %get3A_8 = memref.load %arg5[%get3A_7] : memref<1xf32, #tpu.memory_space<smem>>
    %reduce_sum3A_9 = vector.shape_cast %add3A : vector<512xf32> to vector<1x512xf32>
    %reduce_sum3A_10 = arith.constant dense<0.000000e+00> : vector<1xf32>
    %reduce_sum3A_11 = vector.multi_reduction <add>, %reduce_sum3A_9, %reduce_sum3A_10 [1] : vector<1x512xf32> to vector<1xf32>
    %reduce_sum3A_12 = vector.shape_cast %reduce_sum3A_11 : vector<1xf32> to vector<1x1xf32>
    %reduce_sum3A_13 = vector.extract %reduce_sum3A_12[0, 0] : f32 from vector<1x1xf32>
    %add3A_14 = arith.addf %get3A_8, %reduce_sum3A_13 : f32
    %swap3A = arith.constant 0 : index
    %swap3A_15 = memref.load %arg5[%swap3A] : memref<1xf32, #tpu.memory_space<smem>>
    memref.store %add3A_14, %arg5[%swap3A] : memref<1xf32, #tpu.memory_space<smem>>
    %lt3A = arith.constant 16 : i32
    %lt3A_16 = arith.cmpi slt, %arg0, %lt3A : i32
    %convert_element_type3A_17 = arith.extui %lt3A_16 : i1 to i32
    %cond3A_18 = arith.constant 0 : i32
    %cond3A_19 = arith.cmpi ne, %convert_element_type3A_17, %cond3A_18 : i32
    scf.if %cond3A_19 {
      %get3A_25 = arith.constant 0 : index
      %get3A_26 = arith.constant 0 : index
      %get3A_27 = arith.constant 0 : index
      %get3A_28 = vector.load %arg2[%get3A_25, %get3A_26, %get3A_27] : memref<1x1x512xi32, #tpu.memory_space<vmem>>, vector<1x1x512xi32>
      %get3A_29 = vector.shape_cast %get3A_28 : vector<1x1x512xi32> to vector<512xi32>
      %iota3A = tpu.iota {dimensions = array<i32: 1>} : vector<512x1000xi32>
      %broadcast_in_dim3A_30 = vector.shape_cast %get3A_29 : vector<512xi32> to vector<512x1xi32>
      %eq3A_31 = vector.broadcast %broadcast_in_dim3A_30 : vector<512x1xi32> to vector<512x1000xi32>
      %eq3A_32 = arith.cmpi eq, %iota3A, %eq3A_31 : vector<512x1000xi32>
      %convert_element_type3A_33 = arith.extui %eq3A_32 : vector<512x1000xi1> to vector<512x1000xi32>
      %convert_element_type3A_34 = arith.sitofp %convert_element_type3A_33 : vector<512x1000xi32> to vector<512x1000xf32>
      %convert_element_type3A_35 = arith.truncf %convert_element_type3A_34 : vector<512x1000xf32> to vector<512x1000xbf16>
      %get3A_36 = arith.constant 0 : index
      %get3A_37 = arith.constant 0 : index
      %get3A_38 = vector.load %arg3[%get3A_36, %get3A_37] : memref<1000x1000xbf16, #tpu.memory_space<vmem>>, vector<1000x1000xbf16>
      %dot_general3A = arith.constant dense<0.000000e+00> : vector<512x1000xf32>
      %dot_general3A_39 = tpu.matmul %convert_element_type3A_35, %get3A_38, %dot_general3A {dimension_numbers = #tpu.dot_dimension_numbers<[1], [0], [0], [1], [0, 0, 1, 1], [], []>, transpose_lhs_hint = false} : vector<512x1000xbf16>, vector<1000x1000xbf16>, vector<512x1000xf32> -> vector<512x1000xf32>
      %get3A_40 = arith.constant 0 : index
      %get3A_41 = memref.load %arg5[%get3A_40] : memref<1xf32, #tpu.memory_space<smem>>
      %mul3A = arith.mulf %dot_general3A_39, %get3A_3 : vector<512x1000xf32>
      %reduce_sum3A_42 = vector.shape_cast %mul3A : vector<512x1000xf32> to vector<1x512x1000xf32>
      %reduce_sum3A_43 = arith.constant dense<0.000000e+00> : vector<1xf32>
      %reduce_sum3A_44 = vector.multi_reduction <add>, %reduce_sum3A_42, %reduce_sum3A_43 [1, 2] : vector<1x512x1000xf32> to vector<1xf32>
      %reduce_sum3A_45 = vector.shape_cast %reduce_sum3A_44 : vector<1xf32> to vector<1x1x1xf32>
      %reduce_sum3A_46 = vector.extract %reduce_sum3A_45[0, 0, 0] : f32 from vector<1x1x1xf32>
      %neg3A = arith.constant 0.000000e+00 : f32
      %neg3A_47 = arith.subf %neg3A, %reduce_sum3A_46 : f32
      %add3A_48 = arith.addf %get3A_41, %neg3A_47 : f32
      %swap3A_49 = arith.constant 0 : index
      %swap3A_50 = memref.load %arg5[%swap3A_49] : memref<1xf32, #tpu.memory_space<smem>>
      memref.store %add3A_48, %arg5[%swap3A_49] : memref<1xf32, #tpu.memory_space<smem>>
    } else {
    }
    %eq3A_20 = arith.constant 31 : i32
    %eq3A_21 = arith.cmpi eq, %arg0, %eq3A_20 : i32
    %convert_element_type3A_22 = arith.extui %eq3A_21 : i1 to i32
    %cond3A_23 = arith.constant 0 : i32
    %cond3A_24 = arith.cmpi ne, %convert_element_type3A_22, %cond3A_23 : i32
    scf.if %cond3A_24 {
      %get3A_25 = arith.constant 0 : index
      %get3A_26 = memref.load %arg5[%get3A_25] : memref<1xf32, #tpu.memory_space<smem>>
      %swap3A_27 = arith.constant 0 : index
      %swap3A_28 = memref.load %arg4[%swap3A_27] : memref<1xf32, #tpu.memory_space<smem>>
      memref.store %get3A_26, %arg4[%swap3A_27] : memref<1xf32, #tpu.memory_space<smem>>
    } else {
    }
    return
  }
  func.func @transform_0(%arg0: i32) -> (i32, i32) {
    %c0_i32 = arith.constant 0 : i32
    %c0_i32_0 = arith.constant 0 : i32
    return %arg0, %c0_i32 : i32, i32
  }
  func.func @transform_1(%arg0: i32) -> (i32, i32, i32) {
    %c0_i32 = arith.constant 0 : i32
    %c0_i32_0 = arith.constant 0 : i32
    %c0_i32_1 = arith.constant 0 : i32
    return %arg0, %c0_i32, %c0_i32_0 : i32, i32, i32
  }
  func.func @transform_2(%arg0: i32) -> (i32, i32) {
    %c0_i32 = arith.constant 0 : i32
    %c0_i32_0 = arith.constant 0 : i32
    %c0_i32_1 = arith.constant 0 : i32
    return %c0_i32, %c0_i32_0 : i32, i32
  }
  func.func @transform_3(%arg0: i32) -> i32 {
    %c0_i32 = arith.constant 0 : i32
    %c0_i32_0 = arith.constant 0 : i32
    return %c0_i32 : i32
  }
}

module attributes {stable_mosaic.version = 14 : i64} {
  func.func @_s_table_body(%arg0: memref<1000x128xf32, #tpu.memory_space<vmem>>, %arg1: memref<1000x1024xf32, #tpu.memory_space<vmem>>, %arg2: memref<1000x1000xbf16, #tpu.memory_space<vmem>>) attributes {dimension_semantics = [], scalar_prefetch = 0 : i64, scratch_operands = 0 : i64, tpu.core_type = #tpu.core_type<tc>} {
    %get3A = arith.constant 0 : index
    %get3A_0 = arith.constant 0 : index
    %get3A_1 = vector.load %arg0[%get3A, %get3A_0] : memref<1000x128xf32, #tpu.memory_space<vmem>>, vector<1000x128xf32>
    %mul3A = arith.mulf %get3A_1, %get3A_1 : vector<1000x128xf32>
    %reduce_sum3A = arith.constant dense<0.000000e+00> : vector<1000xf32>
    %reduce_sum3A_2 = vector.multi_reduction <add>, %mul3A, %reduce_sum3A [1] : vector<1000x128xf32> to vector<1000xf32>
    %broadcast_in_dim3A = vector.shape_cast %reduce_sum3A_2 : vector<1000xf32> to vector<1000x1xf32>
    %sqrt3A = math.sqrt %broadcast_in_dim3A : vector<1000x1xf32>
    %max3A = arith.constant 9.99999996E-13 : f32
    %max3A_3 = vector.broadcast %max3A : f32 to vector<1000x1xf32>
    %max3A_4 = arith.maximumf %sqrt3A, %max3A_3 : vector<1000x1xf32>
    %div3A = vector.broadcast %max3A_4 : vector<1000x1xf32> to vector<1000x128xf32>
    %div3A_5 = arith.divf %get3A_1, %div3A : vector<1000x128xf32>
    %dot_general3A = arith.constant dense<0.000000e+00> : vector<1000x1000xf32>
    %dot_general3A_6 = tpu.matmul %div3A_5, %div3A_5, %dot_general3A {dimension_numbers = #tpu.dot_dimension_numbers<[1], [1], [0], [0], [0, 0, 1, 0], [], []>, transpose_lhs_hint = false} : vector<1000x128xf32>, vector<1000x128xf32>, vector<1000x1000xf32> -> vector<1000x1000xf32>
    %iota3A = tpu.iota {dimensions = array<i32: 0>} : vector<1000x1000xi32>
    %iota3A_7 = tpu.iota {dimensions = array<i32: 1>} : vector<1000x1000xi32>
    %eq3A = arith.cmpi eq, %iota3A, %iota3A_7 : vector<1000x1000xi32>
    %mul3A_8 = arith.constant 2.000000e+00 : f32
    %mul3A_9 = vector.broadcast %mul3A_8 : f32 to vector<1000x1000xf32>
    %mul3A_10 = arith.mulf %dot_general3A_6, %mul3A_9 : vector<1000x1000xf32>
    %jit3A = arith.constant 0xFF800000 : f32
    %broadcast_in_dim3A_11 = vector.broadcast %jit3A : f32 to vector<1000x1000xf32>
    %select_n3A = arith.select %eq3A, %broadcast_in_dim3A_11, %mul3A_10 : vector<1000x1000xi1>, vector<1000x1000xf32>
    %reduce_max3A = arith.constant dense<0xFF800000> : vector<1000xf32>
    %reduce_max3A_12 = vector.multi_reduction <maximumf>, %select_n3A, %reduce_max3A [1] : vector<1000x1000xf32> to vector<1000xf32>
    %broadcast_in_dim3A_13 = vector.shape_cast %reduce_max3A_12 : vector<1000xf32> to vector<1000x1xf32>
    %sub3A = vector.broadcast %broadcast_in_dim3A_13 : vector<1000x1xf32> to vector<1000x1000xf32>
    %sub3A_14 = arith.subf %select_n3A, %sub3A : vector<1000x1000xf32>
    %exp3A = math.exp %sub3A_14 : vector<1000x1000xf32>
    %reduce_sum3A_15 = arith.constant dense<0.000000e+00> : vector<1000xf32>
    %reduce_sum3A_16 = vector.multi_reduction <add>, %exp3A, %reduce_sum3A_15 [1] : vector<1000x1000xf32> to vector<1000xf32>
    %broadcast_in_dim3A_17 = vector.shape_cast %reduce_sum3A_16 : vector<1000xf32> to vector<1000x1xf32>
    %div3A_18 = arith.constant 2.000000e-01 : f32
    %div3A_19 = vector.broadcast %div3A_18 : f32 to vector<1000x1xf32>
    %div3A_20 = arith.divf %div3A_19, %broadcast_in_dim3A_17 : vector<1000x1xf32>
    %mul3A_21 = vector.broadcast %div3A_20 : vector<1000x1xf32> to vector<1000x1000xf32>
    %mul3A_22 = arith.mulf %exp3A, %mul3A_21 : vector<1000x1000xf32>
    %jit3A_23 = arith.constant 8.000000e-01 : f32
    %broadcast_in_dim3A_24 = vector.broadcast %jit3A_23 : f32 to vector<1000x1000xf32>
    %select_n3A_25 = arith.select %eq3A, %broadcast_in_dim3A_24, %mul3A_22 : vector<1000x1000xi1>, vector<1000x1000xf32>
    %jit3A_26 = arith.constant 0 : i32
    %convert_element_type3A = arith.sitofp %jit3A_26 : i32 to f32
    %pad3A = vector.broadcast %convert_element_type3A : f32 to vector<1000x24xf32>
    %pad3A_27 = tpu.concatenate %select_n3A_25, %pad3A in 1 : vector<1000x1000xf32>, vector<1000x24xf32> -> vector<1000x1024xf32>
    %swap3A = arith.constant 0 : index
    %swap3A_28 = arith.constant 0 : index
    %swap3A_29 = vector.load %arg1[%swap3A, %swap3A_28] : memref<1000x1024xf32, #tpu.memory_space<vmem>>, vector<1000x1024xf32>
    tpu.vector_store %arg1[%swap3A, %swap3A_28], %pad3A_27 {strides = array<i32>} : memref<1000x1024xf32, #tpu.memory_space<vmem>>, vector<1000x1024xf32>,
    %convert_element_type3A_30 = arith.truncf %select_n3A_25 : vector<1000x1000xf32> to vector<1000x1000xbf16>
    %swap3A_31 = arith.constant 0 : index
    %swap3A_32 = arith.constant 0 : index
    %swap3A_33 = vector.load %arg2[%swap3A_31, %swap3A_32] : memref<1000x1000xbf16, #tpu.memory_space<vmem>>, vector<1000x1000xbf16>
    tpu.vector_store %arg2[%swap3A_31, %swap3A_32], %convert_element_type3A_30 {strides = array<i32>} : memref<1000x1000xbf16, #tpu.memory_space<vmem>>, vector<1000x1000xbf16>,
    return
  }
}

</mosaic_0001>

<sc_bundles>
// kernel: kernel.5.cloned.1.call-start
scs
__scs_entry_jumppad:
0x0: {  	(pc) =	sbr.rel $0x88, $3  }
0x1: {  	(tag) =	ssettag $0x0;
	lr =	simm.s32 $0x1  }
0x2: {  	[smem:$0x3F9E] =	sst lr;
	_ =	strace $0xD0000000  }
0x3: {  	_ = 	snop  }
0x4: {  	_ = 	snop  }
0x5: {  	_ = 	snop  }
0x6: {  	_ = 	snop  }
0x7: {  	_ = 	snop  }
__scs_overlays_trampoline_lowered:
0x8: {  	[smem:$0x3FAD] =	sst s0  }
0x9: {  	[smem:$0x3FAE] =	sst s1  }
0xa: {  	[smem:$0x3FAF] =	sst s2  }
0xb: {  	[smem:$0x3FB0] =	sst s3  }
0xc: {  	[smem:$0x3FB1] =	sst s4  }
0xd: {  	[smem:$0x3FB2] =	sst s5  }
0xe: {  	[smem:$0x3FB3] =	sst s6  }
0xf: {  	[smem:$0x3FB4] =	sst s7  }
0x10: {  	[smem:$0x3FB5] =	sst s8  }
0x11: {  	[smem:$0x3FB6] =	sst s9;
	s0 =	simm.s32 @!p0 $0x0  }
0x12: {  	s1 =	sld [smem:$0x3F9C];
	s0 =	simm.s32 @p0 $0x1  }
0x13: {  	[smem:$0x3FB7] =	sst s0;
	s0 =	simm.s32 @!p1 $0x0  }
0x14: {  	s2 =	sld [smem:$0x3F9B];
	s0 =	simm.s32 @p1 $0x1  }
0x15: {  	[smem:$0x3FB8] =	sst s0;
	s0 =	simm.s32 @!p2 $0x0  }
0x16: {  	s3 =	sld [smem:$0x3FDB];
	s0 =	simm.s32 @p2 $0x1  }
0x17: {  	s4 =	simm.s32 $0x1BF5;
	[smem:$0x3FBA] =	sst s0  }
0x18: {  	s0 =	sld [smem:$0x3F9D];
	_ =	swait.ge [sflag:s4], $0x0  }
0x19: {  	s7 =	sld [smem:$0x3F9E]  }
0x1a: {  	s8 =	sadd.s32 $0xFFFFE003, lr  }
0x1b: {  	s9 =	sadd.s32 $0xFFFFFEF7, lr;
	s5 =	simm.s32 $0xFFFFFFFF;
	p2 =	slt.u32 s8, $0xFFFFF086  }
0x1c: {  	p1 =	slt.u32 s9, $0xF7A;
	s5 =	simm.s32 @!p2 $0x0  }
0x1d: {  	s5 =	simm.s32 @p1 $0x1;
	p0 =	seq.s32 s7, s2  }
0x1e: {  	s7 =	smul.u32 @!p0 $0xF7A, s2;
	p2 =	seq.s32 @!p0 s5, $0x0  }
0x1f: {  	s9 =	smul.u32 $0xF7A, s1;
	s8 =	simm.s32 @!p0 $0x1BF5;
	p2 =	por !p2, p0  }
0x20: {  	[sflag:s8] =	ssyncset.s32 @!p0 $0xFFFFF086;
	s6 =	sadd.s32 @!p0 s3, s7;
	s7 =	simm.s32 @!p0 $0x108  }
0x21: {  	s3 =	sadd.s32 s3, s9;
	s6 =	sadd.s32 @!p0 $0x88, s6;
	s7 =	simm.s32 @p2 $0x1082  }
0x22: {  	[simem:s7], [sflag:s8] =	dma.local @!p0 [hbm:s6], $0xF7A  }
0x23: {  	s9 =	sor.u32 $0xD0000000, s2;
	s6 =	simm.s32 $0x108;
	_ =	swait.ge @!p0 [sflag:s8], $0x0  }
0x24: {  	s3 =	sadd.s32 $0x88, s3;
	s6 =	simm.s32 @!p1 $0x1082;
	[sflag:s4] =	ssyncset.s32 $0xFFFFF086  }
0x25: {  	[simem:s6], [sflag:s4] =	dma.local [hbm:s3], $0xF7A  }
0x26: {  	[smem:$0x3F9E] =	sst s1;
	(tag) =	ssettag s2;
	_ =	strace s9  }
0x27: {  	s1 =	sld [smem:$0x3FAE]  }
0x28: {  	s2 =	sld [smem:$0x3FAF]  }
0x29: {  	s4 =	sld [smem:$0x3FB1]  }
0x2a: {  	p0 =	seq.s32 s5, $0x0;
	s5 =	sld [smem:$0x3FB2]  }
0x2b: {  	s6 =	sld [smem:$0x3FB3]  }
0x2c: {  	s7 =	sld [smem:$0x3FB4]  }
0x2d: {  	s3 =	simm.s32 $0x108;
	s8 =	sld [smem:$0x3FB5]  }
0x2e: {  	s3 =	simm.s32 @!p0 $0x1082;
	s9 =	sld [smem:$0x3FB6]  }
0x2f: {  	lr =	sadd.s32 s0, s3;
	s0 =	sld [smem:$0x3FAD]  }
0x30: {  	s3 =	sld [smem:$0x3FB0]  }
0x31: {  	[smem:$0x3FB9] =	sst s10  }
0x32: {  	s10 =	sld [smem:$0x3FB7];
	_ =	sdelay $0x3  }
0x33: {  	p0 =	seq.s32 s10, $0x1;
	s10 =	sld [smem:$0x3FB9];
	_ =	sdelay $0x3  }
0x34: {  	[smem:$0x3FB9] =	sst s10  }
0x35: {  	s10 =	sld [smem:$0x3FB8];
	_ =	sdelay $0x3  }
0x36: {  	p1 =	seq.s32 s10, $0x1;
	s10 =	sld [smem:$0x3FB9];
	_ =	sdelay $0x3  }
0x37: {  	[smem:$0x3FB9] =	sst s10  }
0x38: {  	s10 =	sld [smem:$0x3FBA]  }
0x39: {  	_ = 	snop;
	(pc) =	sbr.ind lr, $3  }
0x3a: {  	_ = 	snop  }
0x3b: {  	_ = 	snop  }
0x3c: {  	p2 =	seq.s32 s10, $0x1;
	s10 =	sld [smem:$0x3FB9]  }
0x3d: {  	_ =	shalt  }
0x3e: {  	_ =	shalt  }
0x3f: {  	_ =	shalt  }
0x40: {  	_ =	shalt  }
0x41: {  	_ =	shalt  }
0x42: {  	_ =	shalt  }
0x43: {  	_ =	shalt  }
0x44: {  	_ =	shalt  }
0x45: {  	_ =	shalt  }
0x46: {  	_ =	shalt  }
0x47: {  	_ =	shalt  }
0x48: {  	_ =	shalt  }
0x49: {  	_ =	shalt  }
0x4a: {  	_ =	shalt  }
0x4b: {  	_ =	shalt  }
0x4c: {  	_ =	shalt  }
0x4d: {  	_ =	shalt  }
0x4e: {  	_ =	shalt  }
0x4f: {  	_ =	shalt  }
0x50: {  	_ =	shalt  }
0x51: {  	_ =	shalt  }
0x52: {  	_ =	shalt  }
0x53: {  	_ =	shalt  }
0x54: {  	_ =	shalt  }
0x55: {  	_ =	shalt  }
0x56: {  	_ =	shalt  }
0x57: {  	_ =	shalt  }
0x58: {  	_ =	shalt  }
0x59: {  	_ =	shalt  }
0x5a: {  	_ =	shalt  }
0x5b: {  	_ =	shalt  }
0x5c: {  	_ =	shalt  }
0x5d: {  	_ =	shalt  }
0x5e: {  	_ =	shalt  }
0x5f: {  	_ =	shalt  }
0x60: {  	_ =	shalt  }
0x61: {  	_ =	shalt  }
0x62: {  	_ =	shalt  }
0x63: {  	_ =	shalt  }
0x64: {  	_ =	shalt  }
0x65: {  	_ =	shalt  }
0x66: {  	_ =	shalt  }
0x67: {  	_ =	shalt  }
0x68: {  	_ =	shalt  }
0x69: {  	_ =	shalt  }
0x6a: {  	_ =	shalt  }
0x6b: {  	_ =	shalt  }
0x6c: {  	_ =	shalt  }
0x6d: {  	_ =	shalt  }
0x6e: {  	_ =	shalt  }
0x6f: {  	_ =	shalt  }
0x70: {  	_ =	shalt  }
0x71: {  	_ =	shalt  }
0x72: {  	_ =	shalt  }
0x73: {  	_ =	shalt  }
0x74: {  	_ =	shalt  }
0x75: {  	_ =	shalt  }
0x76: {  	_ =	shalt  }
0x77: {  	_ =	shalt  }
0x78: {  	_ =	shalt  }
0x79: {  	_ =	shalt  }
0x7a: {  	_ =	shalt  }
0x7b: {  	_ =	shalt  }
0x7c: {  	_ =	shalt  }
0x7d: {  	_ =	shalt  }
0x7e: {  	_ =	shalt  }
0x7f: {  	_ =	shalt  }
0x80: {  	_ =	shalt  }
0x81: {  	_ =	shalt  }
0x82: {  	_ =	shalt  }
0x83: {  	_ =	shalt  }
0x84: {  	_ =	shalt  }
0x85: {  	_ =	shalt  }
0x86: {  	_ =	shalt  }
0x87: {  	_ =	shalt  }
.Lfunc_end0:
.L_simem_size_0:
called_computation_lowered:
.L_overlay_start_0:
0x88: {  	s2 =	sld [smem:$0x3FD9]  }
0x89: {  	s3 =	sld [smem:$0x3FFE];
	_ =	sdelay $0x1  }
0x8a: {  	s1 =	srdreg.scid  }
0x8b: {  	s0 =	sand.u32 $0x1, s1  }
0x8c: {  	s17 =	sshll.u32 s0, $0xA;
	s2 =	sadd.s32 s3, s2  }
0x8d: {  	s2 =	sadd.s32 s2, s17  }
0x8e: {  	[smem:$0x3FC5] =	sst s2  }
0x8f: {  	_ = 	snop  }
0x90: {  	s2 =	sld [smem:$0x3FC8];
	(tm) =	ssettm $0x1  }
0x91: {  	s18 =	sld [smem:$0x3FFB];
	_ =	sdelay $0x3  }
0x92: {  	_ =	strace s18  }
0x93: {  	s3 =	sld [smem:$0x3FFC];
	_ =	sdelay $0x3  }
0x94: {  	_ =	strace s3  }
0x95: {  	s3 =	sld [smem:$0x3FFD];
	_ =	sdelay $0x3  }
0x96: {  	_ =	strace s3  }
0x97: {  	_ =	strace $0x8FFFFFFF  }
0x98: {  	s19 =	sld [smem:$0x3FDB];
	_ =	sdelay $0x1  }
0x99: {  	s4 =	simm.s32 $_scs_section_size  }
0x9a: {  	s5 =	simm.s32 $_size__tile_overlayer_lowered;
	s6 =	simm.s32 $_tile_overlayer_lowered  }
0x9b: {  	s22 =	simm.s32 $0x1BFF;
	s21 =	sshll.u32 s6, $0x1;
	s3 =	sadd.s32 s4, s19  }
0x9c: {  	s7 =	simm.s32 $0x0;
	s20 =	sshll.u32 s5, $0x1;
	s5 =	sadd.s32 s21, s3  }
0x9d: {  	[timem:s7], [sflag:s22] =	dma.local [hbm:s5], s20  }
0x9e: {  	_ =	swait.ge [sflag:s22], s20  }
0x9f: {  	s4 =	ssub.s32 $0x0, s20;
	[sflag:s22] =	ssyncset.done $0x0  }
0xa0: {  	[sflag:s22] =	ssyncadd.s32 s4;
	_ =	sdelay $0x1  }
0xa1: {  	s23 =	simm.s32 $0x1B8B  }
0xa2: {  	_ =	swait.ge [sflag:s23], $0x1  }
0xa3: {  	[sflag:s23] =	ssyncset.done $0x0  }
0xa4: {  	s25 =	simm.s32 $0x1B8E;
	s24 =	sld [smem:$0x3FFE];
	[sflag:s23] =	ssyncadd.s32 $0xFFFFFFFF  }
0xa5: {  	s26 =	simm.s32 $execute0_lowered;
	[smem:$0x3FD2] =	sst s25  }
0xa6: {  	s5 =	sshll.u32 s26, $0x1;
	_ =	strace $0x80000046;
	[dreg:$0x1] =	wrdreg $0xFFFFFFFF  }
0xa7: {  	s28 =	simm.s32 $_size_execute0_lowered;
	s3 =	sadd.s32 s3, s5;
	[dreg:$0x0] =	wrdreg $0x0  }
0xa8: {  	s5 =	sshll.u32 s28, $0x1;
	[dreg:$0x2] =	wrdreg s3  }
0xa9: {  	[dreg:$0x3] =	wrdreg s5  }
0xaa: {  	[dreg:$0x4] =	wrdreg $0xC0  }
0xab: {  	_ =	task [dreg:s7], $0x5FFFF  }
0xac: {  	[dreg:$0x1] =	wrdreg $0xFFFFFFFF  }
0xad: {  	[dreg:$0x0] =	wrdreg $0x60  }
0xae: {  	[dreg:$0x2] =	wrdreg s24  }
0xaf: {  	[dreg:$0x3] =	wrdreg s2  }
0xb0: {  	[dreg:$0x4] =	wrdreg $0x9  }
0xb1: {  	_ =	task.clear_ibuf [dreg:s7], $0x5FFFF;
	_ =	strace $0x90000046  }
0xb2: {  	s29 =	simm.s32 $0x9;
	_ =	strace $0x80000048  }
0xb3: {  	_ =	swait.ge [sflag:s29], $0x1  }
0xb4: {  	[sflag:s29] =	ssyncadd.s32 $0xFFFFFFFF  }
0xb5: {  	_ =	strace $0x90000048  }
0xb6: {  	_ =	sfence  }
0xb7: {  	s30 =	sld [smem:$0x0];
	_ =	sdelay $0x2  }
0xb8: {  	s31 =	sshll.u32 s1, $0xD;
	s1 =	sshrl.u32 s1, $0x2  }
0xb9: {  	s3 =	sand.u32 $0x4000, s31;
	s1 =	sadd.s32 s1, s30  }
0xba: {  	s0 =	sor.u32 s3, s0;
	s1 =	sshll.u32 s1, $0x11  }
0xbb: {  	s0 =	sor.u32 s1, s0  }
0xbc: {  	s0 =	sadd.s32 $0x8F2B, s0  }
0xbd: {  	[sflag:s0] =	ssyncadd.remote.s32 $0x1  }
0xbe: {  	_ =	sfence.sel $0xFFFF  }
0xbf: {  	[dreg:$0x0] =	wrdreg $0xFFFFFFFF;
	(pc) =	sbr.abs _section_cstart, $3  }
0xc0: {  	[dreg:$0x1] =	wrdreg $0xFFFFFFFF  }
0xc1: {  	_ =	task.clear_ibuf [dreg:s7], $0x2FFFF;
	_ =	strace $0x9FFFFFFF  }
0xc2: {  	(tm) =	ssettm $0x7FFFFFFF  }
0xc3: {  	_ =	shalt  }
tec
execute0_lowered:
.L_overlay_start_1:
0x0: {  	(tag) =	ssettag $0x1  }
0x1: {  	s0 =	rddreg [dreg:$0x0]  }
0x2: {  	s1 =	simm.s32 $0x0;
	s6 =	stileid.u32;
	s23 =	srdreg.scid  }
0x3: {  	s12 =	simm.s32 $0x2;
	s16 =	simm.s32 $0x9080;
	s17 =	simm.s32 $0x9880  }
0x4: {  	s18 =	simm.s32 $0xA080;
	s19 =	simm.s32 $0xA880;
	s20 =	simm.s32 $0xB080  }
0x5: {  	s21 =	simm.s32 $0xB880;
	s22 =	simm.s32 $0xC080;
	s28 =	simm.s32 $0xE880  }
0x6: {  	s29 =	simm.s32 $0xF080;
	s30 =	simm.s32 $0xF880;
	s31 =	simm.s32 $0x1  }
0x7: {  	v0 =	vimm.s32 $0xFEDCBA98;
	[smem:$0x7FF] =	sst s1;
	s4 =	sadd.s32 $0x1FC00, s0;
	s2 =	sshll.u32 s6, $0x4  }
0x8: {  	v1 =	vimm.s32 $0x76543210;
	s1 =	sand.u32 $0x1, s23;
	s5 =	sadd.s32 $0x800, s0;
	v0 =	vunpack.c.l.s4.s8 v0;
	s8 =	sadd.s32 $0xA00, s0  }
0x9: {  	v1 =	vunpack.c.l.s4.s8 v1;
	s9 =	sadd.s32 $0xB00, s0;
	s23 =	simm.s32 $0xC880;
	_ =	strace $0x80000047  }
0xa: {  	s2 =	sand.u32 $0x70, s2;
	s3 =	sshll.u32 s1, $0x4;
	s1 =	ssub.s32 $0x2, s1;
	v0 =	vunpack.c.0.s8.s32 v0  }
0xb: {  	v4 =	vlaneseq.u32;
	s2 =	sadd.s32 s2, s0;
	s3 =	sor.u32 s6, s3;
	s24 =	sshrl.u32 s1, $0x1;
	v1 =	vunpack.c.0.s8.s32 v1  }
0xc: {  	v3 =	vshrl.u32 v4, $0x3;
	s7 =	sshll.u32 s3, $0x8;
	s3 =	sshll.u32 s3, $0x4;
	s1 =	ssub.s32 s1, s24;
	v0 =	vand.u32 $0xF, v0  }
0xd: {  	s24 =	simm.s32 $0xD080;
	s6 =	sor.u32 $0x2000, s7;
	s3 =	sand.u32 $0x180, s3;
	v0 =	vcombine.low v0, v1;
	v1 =	vmul.u32 $0x3F800000, v3  }
0xe: {  	s7 =	sadd.s32 $0x900, s0;
	s26 =	smax.u32 s1, $0x1;
	s2 =	sadd.s32 s3, s2  }
0xf: {  	vm0 =	vmmov $0xffff;
	vm1 =	vmmov $0xff;
	s1 =	simm.s32 $0x0;
	[dreg:$0x4] =	wrdreg s26;
	s25 =	sadd.s32 $0x21FC00, s2;
	v1 =	vperm.xlane v1, v0  }
0x10: {  	v2 =	vand.u32 $0x7, v4;
	v4 =	vor.u32 $0x8, v4;
	s26 =	simm.s32 $0xE080;
	v3 =	vmul.u32 $0x8, v3;
	[dreg:$0x3] =	wrdreg s25;
	s25 =	simm.s32 $0xD880  }
.LBB2_1:
0x11: {  	[dreg:$0x5] =	wrdreg s1;
	v8 =	vimm.f32 $0.0e+00;
	s3 =	simm.s32 $0x0  }
.LBB2_2:
0x12: {  	s0 =	sshll.u32 s3, $0x5  }
0x13: {  	s1 =	sadd.s32 s6, s0  }
0x14: {  	s2 =	rddreg [dreg:$0x1];
	s0 =	sshrl.u32 s1, $0x3  }
0x15: {  	s2 =	sadd.s32 s2, s0;
	s0 =	simm.s32 $0x0  }
0x16: {  	[tilespmem:s0], [sflag:$0x2] =	stream.linear.gather [hbm4b:s2+s0], $0x20, $0x38;
	[tilespmem:$0x10100] =	vst v63  }
0x17: {  	_ =	swait.ge [sflag:s12], $0x20  }
0x18: {  	s1 =	sshll.u32 s1, $0x7;
	[sflag:s12] =	ssyncset.done $0x0  }
0x19: {  	s13 =	simm.s32 $0x80;
	s1 =	sadd.s32 s4, s1;
	[sflag:s12] =	ssyncadd.s32 $0xFFFFFFE0  }
0x1a: {  	[tilespmem:s13], [sflag:$0x1] =	stream.linear.gather [hbm4b:s1+s0], $0x8000, $0x38;
	[tilespmem:$0x10100] =	vst v63  }
0x1b: {  	v5 =	vld [tilespmem:$0x0];
	_ =	sdelay $0x4  }
0x1c: {  	v6 =	vshll.u32 v5, $0x3  }
0x1d: {  	v5 =	vand.u32 $0x7, v5;
	v6 =	vand.u32 $0xFFFFFFC0, v6  }
0x1e: {  	v5 =	vor.u32 v5, v6  }
0x1f: {  	v6 =	vperm.xlane v5, v2;
	_ =	sdelay $0x1  }
0x20: {  	v6 =	vadd.s32 v3, v6;
	_ =	sdelay $0x3  }
0x21: {  	s14 =	simm.s32 $0x8080  }
0x22: {  	[tilespmem:s14], [sflag:$0x1] =	stream.indirect_vreg.gather [hbm4b:s5+s0], $0x80, v6, vm0, $0xb8;
	[tilespmem:$0x10100] =	vst v63  }
0x23: {  	s15 =	simm.s32 $0x8880;
	v5 =	vperm.xlane v5, v4  }
0x24: {  	[tilespmem:s15], [sflag:$0x1] =	stream.indirect_vreg.gather [hbm4b:s7+s0], $0x80, v6, vm0, $0xb8;
	[tilespmem:$0x10100] =	vst v63  }
0x25: {  	v5 =	vadd.s32 v3, v5  }
0x26: {  	[tilespmem:s16], [sflag:$0x1] =	stream.indirect_vreg.gather [hbm4b:s8+s0], $0x80, v6, vm0, $0xb8;
	[tilespmem:$0x10100] =	vst v63  }
0x27: {  	_ = 	snop  }
0x28: {  	[tilespmem:s17], [sflag:$0x1] =	stream.indirect_vreg.gather [hbm4b:s9+s0], $0x80, v6, vm0, $0xb8;
	[tilespmem:$0x10100] =	vst v63  }
0x29: {  	_ = 	snop  }
0x2a: {  	[tilespmem:s18], [sflag:$0x1] =	stream.indirect_vreg.gather [hbm4b:s5+s0], $0x80, v5, vm0, $0xb8;
	[tilespmem:$0x10100] =	vst v63  }
0x2b: {  	_ = 	snop  }
0x2c: {  	[tilespmem:s19], [sflag:$0x1] =	stream.indirect_vreg.gather [hbm4b:s7+s0], $0x80, v5, vm0, $0xb8;
	[tilespmem:$0x10100] =	vst v63  }
0x2d: {  	_ = 	snop  }
0x2e: {  	[tilespmem:s20], [sflag:$0x1] =	stream.indirect_vreg.gather [hbm4b:s8+s0], $0x80, v5, vm0, $0xb8;
	[tilespmem:$0x10100] =	vst v63  }
0x2f: {  	_ = 	snop  }
0x30: {  	[tilespmem:s21], [sflag:$0x1] =	stream.indirect_vreg.gather [hbm4b:s9+s0], $0x80, v5, vm0, $0xb8;
	[tilespmem:$0x10100] =	vst v63  }
0x31: {  	v5 =	vld [tilespmem:$0x10];
	_ =	sdelay $0x4  }
0x32: {  	v6 =	vshll.u32 v5, $0x3  }
0x33: {  	v5 =	vand.u32 $0x7, v5;
	v6 =	vand.u32 $0xFFFFFFC0, v6  }
0x34: {  	v5 =	vor.u32 v5, v6  }
0x35: {  	v6 =	vperm.xlane v5, v2;
	_ =	sdelay $0x1  }
0x36: {  	v6 =	vadd.s32 v3, v6;
	_ =	sdelay $0x4  }
0x37: {  	[tilespmem:s22], [sflag:$0x1] =	stream.indirect_vreg.gather [hbm4b:s5+s0], $0x80, v6, vm0, $0xb8;
	[tilespmem:$0x10100] =	vst v63  }
0x38: {  	v5 =	vperm.xlane v5, v4  }
0x39: {  	[tilespmem:s23], [sflag:$0x1] =	stream.indirect_vreg.gather [hbm4b:s7+s0], $0x80, v6, vm0, $0xb8;
	[tilespmem:$0x10100] =	vst v63  }
0x3a: {  	v5 =	vadd.s32 v3, v5  }
0x3b: {  	[tilespmem:s24], [sflag:$0x1] =	stream.indirect_vreg.gather [hbm4b:s8+s0], $0x80, v6, vm0, $0xb8;
	[tilespmem:$0x10100] =	vst v63  }
0x3c: {  	_ = 	snop  }
0x3d: {  	[tilespmem:s25], [sflag:$0x1] =	stream.indirect_vreg.gather [hbm4b:s9+s0], $0x80, v6, vm0, $0xb8;
	[tilespmem:$0x10100] =	vst v63  }
0x3e: {  	_ = 	snop  }
0x3f: {  	[tilespmem:s26], [sflag:$0x1] =	stream.indirect_vreg.gather [hbm4b:s5+s0], $0x80, v5, vm0, $0xb8;
	[tilespmem:$0x10100] =	vst v63  }
0x40: {  	_ = 	snop  }
0x41: {  	[tilespmem:s28], [sflag:$0x1] =	stream.indirect_vreg.gather [hbm4b:s7+s0], $0x80, v5, vm0, $0xb8;
	[tilespmem:$0x10100] =	vst v63  }
0x42: {  	_ = 	snop  }
0x43: {  	[tilespmem:s29], [sflag:$0x1] =	stream.indirect_vreg.gather [hbm4b:s8+s0], $0x80, v5, vm0, $0xb8;
	[tilespmem:$0x10100] =	vst v63  }
0x44: {  	_ = 	snop  }
0x45: {  	[tilespmem:s30], [sflag:$0x1] =	stream.indirect_vreg.gather [hbm4b:s9+s0], $0x80, v5, vm0, $0xb8;
	[tilespmem:$0x10100] =	vst v63  }
0x46: {  	_ =	swait.ge [sflag:s31], $0x8000  }
0x47: {  	[sflag:s31] =	ssyncset.done $0x0  }
0x48: {  	[sflag:s31] =	ssyncadd.s32 $0xFFFF8000  }
0x49: {  	s2 =	simm.s32 $0x0;
	_ =	swait.ge [sflag:s31], $0x8000  }
0x4a: {  	s10 =	sand.u32 $0x380, s0;
	s1 =	sand.u32 $0x6000, s2;
	[sflag:s31] =	ssyncset.done $0x0  }
0x4b: {  	s1 =	sor.u32 s10, s1;
	[sflag:s31] =	ssyncadd.s32 $0xFFFF8000  }
0x4c: {  	v5 =	vld [tilespmem:s1+$0x18F0]  }
0x4d: {  	v6 =	vld [tilespmem:s1+$0x98F0]  }
0x4e: {  	v7 =	vld [tilespmem:s1+$0x18E0]  }
0x4f: {  	v9 =	vld [tilespmem:s1+$0x80]  }
0x50: {  	v10 =	vld [tilespmem:s1+$0x8080]  }
0x51: {  	v11 =	vld [tilespmem:s1+$0x90]  }
0x52: {  	v12 =	vld [tilespmem:s1+$0x8090]  }
0x53: {  	v13 =	vld [tilespmem:s1+$0xA0]  }
0x54: {  	v14 =	vld [tilespmem:s1+$0x80A0]  }
0x55: {  	v15 =	vld [tilespmem:s1+$0x80B0];
	v9 =	vmul.f32 v10, v9  }
0x56: {  	v10 =	vld [tilespmem:s1+$0xB0]  }
0x57: {  	v8 =	vadd.f32 v9, v8;
	v9 =	vmul.f32 v12, v11;
	v11 =	vld [tilespmem:s1+$0xC0]  }
0x58: {  	v12 =	vld [tilespmem:s1+$0x80C0]  }
0x59: {  	v8 =	vadd.f32 v9, v8;
	v9 =	vmul.f32 v14, v13;
	v13 =	vld [tilespmem:s1+$0xD0]  }
0x5a: {  	v14 =	vld [tilespmem:s1+$0x80D0]  }
0x5b: {  	v8 =	vadd.f32 v9, v8;
	v9 =	vmul.f32 v15, v10;
	v10 =	vld [tilespmem:s1+$0xE0]  }
0x5c: {  	v15 =	vld [tilespmem:s1+$0x80E0]  }
0x5d: {  	v8 =	vadd.f32 v9, v8;
	v9 =	vmul.f32 v12, v11;
	v11 =	vld [tilespmem:s1+$0xF0]  }
0x5e: {  	v12 =	vld [tilespmem:s1+$0x80F0]  }
0x5f: {  	v8 =	vadd.f32 v9, v8;
	v9 =	vmul.f32 v14, v13;
	v13 =	vld [tilespmem:s1+$0x480]  }
0x60: {  	v14 =	vld [tilespmem:s1+$0x8480]  }
0x61: {  	v8 =	vadd.f32 v9, v8;
	v9 =	vmul.f32 v15, v10;
	v10 =	vld [tilespmem:s1+$0x490]  }
0x62: {  	v15 =	vld [tilespmem:s1+$0x8490]  }
0x63: {  	v8 =	vadd.f32 v9, v8;
	v9 =	vmul.f32 v12, v11;
	v11 =	vld [tilespmem:s1+$0x4A0]  }
0x64: {  	v12 =	vld [tilespmem:s1+$0x84A0]  }
0x65: {  	v8 =	vadd.f32 v9, v8;
	v9 =	vmul.f32 v14, v13;
	v13 =	vld [tilespmem:s1+$0x4B0]  }
0x66: {  	v14 =	vld [tilespmem:s1+$0x84B0]  }
0x67: {  	v8 =	vadd.f32 v9, v8;
	v9 =	vmul.f32 v15, v10;
	v10 =	vld [tilespmem:s1+$0x4C0]  }
0x68: {  	v15 =	vld [tilespmem:s1+$0x84C0]  }
0x69: {  	v8 =	vadd.f32 v9, v8;
	v9 =	vmul.f32 v12, v11;
	v11 =	vld [tilespmem:s1+$0x4D0]  }
0x6a: {  	v12 =	vld [tilespmem:s1+$0x84D0]  }
0x6b: {  	v8 =	vadd.f32 v9, v8;
	v9 =	vmul.f32 v14, v13;
	v13 =	vld [tilespmem:s1+$0x4E0]  }
0x6c: {  	v14 =	vld [tilespmem:s1+$0x84E0]  }
0x6d: {  	v8 =	vadd.f32 v9, v8;
	v9 =	vmul.f32 v15, v10;
	v10 =	vld [tilespmem:s1+$0x4F0]  }
0x6e: {  	v15 =	vld [tilespmem:s1+$0x84F0]  }
0x6f: {  	v8 =	vadd.f32 v9, v8;
	v9 =	vmul.f32 v12, v11;
	v11 =	vld [tilespmem:s1+$0x880]  }
0x70: {  	v12 =	vld [tilespmem:s1+$0x8880]  }
0x71: {  	v8 =	vadd.f32 v9, v8;
	v9 =	vmul.f32 v14, v13;
	v13 =	vld [tilespmem:s1+$0x890]  }
0x72: {  	v14 =	vld [tilespmem:s1+$0x8890]  }
0x73: {  	v8 =	vadd.f32 v9, v8;
	v9 =	vmul.f32 v15, v10;
	v10 =	vld [tilespmem:s1+$0x8A0]  }
0x74: {  	v15 =	vld [tilespmem:s1+$0x88A0]  }
0x75: {  	v8 =	vadd.f32 v9, v8;
	v9 =	vmul.f32 v12, v11;
	v11 =	vld [tilespmem:s1+$0x8B0]  }
0x76: {  	v12 =	vld [tilespmem:s1+$0x88B0]  }
0x77: {  	v8 =	vadd.f32 v9, v8;
	v9 =	vmul.f32 v14, v13;
	v13 =	vld [tilespmem:s1+$0x8C0]  }
0x78: {  	v14 =	vld [tilespmem:s1+$0x88C0]  }
0x79: {  	v8 =	vadd.f32 v9, v8;
	v9 =	vmul.f32 v15, v10;
	v10 =	vld [tilespmem:s1+$0x8D0]  }
0x7a: {  	v15 =	vld [tilespmem:s1+$0x88D0]  }
0x7b: {  	v8 =	vadd.f32 v9, v8;
	v9 =	vmul.f32 v12, v11;
	v11 =	vld [tilespmem:s1+$0x8E0]  }
0x7c: {  	v12 =	vld [tilespmem:s1+$0x88E0]  }
0x7d: {  	v8 =	vadd.f32 v9, v8;
	v9 =	vmul.f32 v14, v13;
	v13 =	vld [tilespmem:s1+$0x8F0]  }
0x7e: {  	v14 =	vld [tilespmem:s1+$0x88F0]  }
0x7f: {  	v8 =	vadd.f32 v9, v8;
	v9 =	vmul.f32 v15, v10;
	v10 =	vld [tilespmem:s1+$0xC80]  }
0x80: {  	v15 =	vld [tilespmem:s1+$0x8C80]  }
0x81: {  	v8 =	vadd.f32 v9, v8;
	v9 =	vmul.f32 v12, v11;
	v11 =	vld [tilespmem:s1+$0xC90]  }
0x82: {  	v12 =	vld [tilespmem:s1+$0x8C90]  }
0x83: {  	v8 =	vadd.f32 v9, v8;
	v9 =	vmul.f32 v14, v13;
	v13 =	vld [tilespmem:s1+$0xCA0]  }
0x84: {  	v14 =	vld [tilespmem:s1+$0x8CA0]  }
0x85: {  	v8 =	vadd.f32 v9, v8;
	v9 =	vmul.f32 v15, v10;
	v10 =	vld [tilespmem:s1+$0xCB0]  }
0x86: {  	v15 =	vld [tilespmem:s1+$0x8CB0]  }
0x87: {  	v8 =	vadd.f32 v9, v8;
	v9 =	vmul.f32 v12, v11;
	v11 =	vld [tilespmem:s1+$0xCC0]  }
0x88: {  	v12 =	vld [tilespmem:s1+$0x8CC0]  }
0x89: {  	v8 =	vadd.f32 v9, v8;
	v9 =	vmul.f32 v14, v13;
	v13 =	vld [tilespmem:s1+$0xCD0]  }
0x8a: {  	v14 =	vld [tilespmem:s1+$0x8CD0]  }
0x8b: {  	v8 =	vadd.f32 v9, v8;
	v9 =	vmul.f32 v15, v10;
	v10 =	vld [tilespmem:s1+$0xCE0]  }
0x8c: {  	v15 =	vld [tilespmem:s1+$0x8CE0]  }
0x8d: {  	v8 =	vadd.f32 v9, v8;
	v9 =	vmul.f32 v12, v11;
	v11 =	vld [tilespmem:s1+$0xCF0]  }
0x8e: {  	v12 =	vld [tilespmem:s1+$0x8CF0]  }
0x8f: {  	v8 =	vadd.f32 v9, v8;
	v9 =	vmul.f32 v14, v13;
	v13 =	vld [tilespmem:s1+$0x1080]  }
0x90: {  	v14 =	vld [tilespmem:s1+$0x9080]  }
0x91: {  	v8 =	vadd.f32 v9, v8;
	v9 =	vmul.f32 v15, v10;
	v10 =	vld [tilespmem:s1+$0x1090]  }
0x92: {  	v15 =	vld [tilespmem:s1+$0x9090]  }
0x93: {  	v8 =	vadd.f32 v9, v8;
	v9 =	vmul.f32 v12, v11;
	v11 =	vld [tilespmem:s1+$0x10A0]  }
0x94: {  	v12 =	vld [tilespmem:s1+$0x90A0]  }
0x95: {  	v8 =	vadd.f32 v9, v8;
	v9 =	vmul.f32 v14, v13;
	v13 =	vld [tilespmem:s1+$0x10B0]  }
0x96: {  	v14 =	vld [tilespmem:s1+$0x90B0]  }
0x97: {  	v8 =	vadd.f32 v9, v8;
	v9 =	vmul.f32 v15, v10;
	v10 =	vld [tilespmem:s1+$0x10C0]  }
0x98: {  	v15 =	vld [tilespmem:s1+$0x90C0]  }
0x99: {  	v8 =	vadd.f32 v9, v8;
	v9 =	vmul.f32 v12, v11;
	v11 =	vld [tilespmem:s1+$0x10D0]  }
0x9a: {  	v12 =	vld [tilespmem:s1+$0x90D0]  }
0x9b: {  	v8 =	vadd.f32 v9, v8;
	v9 =	vmul.f32 v14, v13;
	v13 =	vld [tilespmem:s1+$0x10E0]  }
0x9c: {  	v14 =	vld [tilespmem:s1+$0x90E0]  }
0x9d: {  	v8 =	vadd.f32 v9, v8;
	v9 =	vmul.f32 v15, v10;
	v10 =	vld [tilespmem:s1+$0x10F0]  }
0x9e: {  	v15 =	vld [tilespmem:s1+$0x90F0]  }
0x9f: {  	v8 =	vadd.f32 v9, v8;
	v9 =	vmul.f32 v12, v11;
	v11 =	vld [tilespmem:s1+$0x1480]  }
0xa0: {  	v12 =	vld [tilespmem:s1+$0x9480]  }
0xa1: {  	v8 =	vadd.f32 v9, v8;
	v9 =	vmul.f32 v14, v13;
	v13 =	vld [tilespmem:s1+$0x1490]  }
0xa2: {  	v14 =	vld [tilespmem:s1+$0x9490]  }
0xa3: {  	v8 =	vadd.f32 v9, v8;
	v9 =	vmul.f32 v15, v10;
	v10 =	vld [tilespmem:s1+$0x14A0]  }
0xa4: {  	v15 =	vld [tilespmem:s1+$0x94A0]  }
0xa5: {  	v8 =	vadd.f32 v9, v8;
	v9 =	vmul.f32 v12, v11;
	v11 =	vld [tilespmem:s1+$0x14B0]  }
0xa6: {  	v12 =	vld [tilespmem:s1+$0x94B0]  }
0xa7: {  	v8 =	vadd.f32 v9, v8;
	v9 =	vmul.f32 v14, v13;
	v13 =	vld [tilespmem:s1+$0x14C0]  }
0xa8: {  	v14 =	vld [tilespmem:s1+$0x94C0]  }
0xa9: {  	v8 =	vadd.f32 v9, v8;
	v9 =	vmul.f32 v15, v10;
	v10 =	vld [tilespmem:s1+$0x14D0]  }
0xaa: {  	v15 =	vld [tilespmem:s1+$0x94D0]  }
0xab: {  	v8 =	vadd.f32 v9, v8;
	v9 =	vmul.f32 v12, v11;
	v11 =	vld [tilespmem:s1+$0x14E0]  }
0xac: {  	v12 =	vld [tilespmem:s1+$0x94E0]  }
0xad: {  	v8 =	vadd.f32 v9, v8;
	v9 =	vmul.f32 v14, v13;
	v13 =	vld [tilespmem:s1+$0x14F0]  }
0xae: {  	v14 =	vld [tilespmem:s1+$0x94F0]  }
0xaf: {  	v8 =	vadd.f32 v9, v8;
	v9 =	vmul.f32 v15, v10;
	v10 =	vld [tilespmem:s1+$0x1880]  }
0xb0: {  	v15 =	vld [tilespmem:s1+$0x9880]  }
0xb1: {  	v8 =	vadd.f32 v9, v8;
	v9 =	vmul.f32 v12, v11;
	v11 =	vld [tilespmem:s1+$0x1890]  }
0xb2: {  	v12 =	vld [tilespmem:s1+$0x9890]  }
0xb3: {  	v8 =	vadd.f32 v9, v8;
	v9 =	vmul.f32 v14, v13;
	v13 =	vld [tilespmem:s1+$0x18A0]  }
0xb4: {  	v14 =	vld [tilespmem:s1+$0x98A0]  }
0xb5: {  	v8 =	vadd.f32 v9, v8;
	v9 =	vmul.f32 v15, v10;
	v10 =	vld [tilespmem:s1+$0x18B0]  }
0xb6: {  	v15 =	vld [tilespmem:s1+$0x98B0]  }
0xb7: {  	s11 =	sand.u32 $0x7, s0;
	v8 =	vadd.f32 v9, v8;
	v9 =	vmul.f32 v12, v11;
	v11 =	vld [tilespmem:s1+$0x18C0]  }
0xb8: {  	s2 =	sshll.u32 s11, $0x7;
	v12 =	vld [tilespmem:s1+$0x98C0]  }
0xb9: {  	s2 =	sadd.s32 $0x0, s2;
	v8 =	vadd.f32 v9, v8;
	v9 =	vmul.f32 v14, v13;
	v13 =	vld [tilespmem:s1+$0x18D0]  }
0xba: {  	s15 =	sor.u32 $0x1C20, s2;
	v14 =	vld [tilespmem:s1+$0x98D0]  }
0xbb: {  	v5 =	vmul.f32 v6, v5;
	v6 =	vld [tilespmem:s15+$0x80];
	v10 =	vmul.f32 v15, v10;
	v9 =	vadd.f32 v9, v8  }
0xbc: {  	s13 =	sor.u32 $0x1C50, s2;
	v15 =	vld [tilespmem:s1+$0x98E0]  }
0xbd: {  	s10 =	sor.u32 $0x1C40, s2;
	v8 =	vld [tilespmem:s13+$0x8080];
	v11 =	vmul.f32 v12, v11;
	v16 =	vadd.f32 v10, v9  }
0xbe: {  	s11 =	sor.u32 $0x1C00, s2;
	v10 =	vld [tilespmem:s10+$0x80]  }
0xbf: {  	v12 =	vmul.f32 v14, v13;
	v13 =	vld [tilespmem:s11+$0x80];
	v11 =	vadd.f32 v11, v16  }
0xc0: {  	s14 =	sor.u32 $0x1C10, s2;
	v14 =	vld [tilespmem:s11+$0x8080]  }
0xc1: {  	v7 =	vmul.f32 v15, v7;
	v15 =	vld [tilespmem:s14+$0x8080];
	v11 =	vadd.f32 v12, v11  }
0xc2: {  	v12 =	vld [tilespmem:s14+$0x80]  }
0xc3: {  	v9 =	vld [tilespmem:s13+$0x80];
	v7 =	vadd.f32 v7, v11  }
0xc4: {  	s11 =	sor.u32 $0x1C30, s2;
	v16 =	vld [tilespmem:s15+$0x8080]  }
0xc5: {  	v17 =	vld [tilespmem:s11+$0x80];
	v5 =	vadd.f32 v5, v7;
	v7 =	vmul.f32 v14, v13  }
0xc6: {  	s13 =	sor.u32 $0x1C60, s2;
	v18 =	vld [tilespmem:s11+$0x8080]  }
0xc7: {  	s15 =	simm.s32 $0x400;
	s14 =	simm.s32 $0x80;
	v11 =	vld.msk [tilespmem:s13+$0x80], $0xff;
	v5 =	vadd.f32 v7, v5;
	v7 =	vmul.f32 v15, v12  }
0xc8: {  	s11 =	sand.u32 $0x6000, s15;
	s2 =	sand.u32 $0x380, s14;
	v12 =	vld [tilespmem:s10+$0x8080]  }
0xc9: {  	s11 =	sor.u32 s2, s11;
	v14 =	vmul.f32 v16, v6;
	v13 =	vld.msk [tilespmem:s13+$0x8080], $0xff;
	v7 =	vadd.f32 v7, v5  }
0xca: {  	v6 =	vld [tilespmem:s11+$0x98F0]  }
0xcb: {  	s1 =	simm.s32 $0x100;
	s2 =	simm.s32 $0xFFFF8400;
	v15 =	vmul.f32 v18, v17;
	s10 =	simm.s32 $0x0;
	v5 =	vld [tilespmem:s11+$0x18F0];
	v14 =	vadd.f32 v14, v7  }
.LBB2_3:
0xcc: {  	p0 =	sne.s32 s1, $0xF80;
	v7 =	vld [tilespmem:s11+$0x18E0];
	v16 =	vmul.f32 v1, v9;
	v11 =	vmul.f32 v1, v11  }
0xcd: {  	v17 =	vld [tilespmem:s11+$0x80];
	v14 =	vadd.f32 v15, v14;
	v10 =	vmul.f32 v12, v10  }
0xce: {  	v12 =	vld [tilespmem:s11+$0x8080];
	v15 =	vmul.f32 v8, v16;
	v11 =	vmul.f32 v13, v11  }
0xcf: {  	v8 =	vmul.f32 v8, v9;
	v13 =	vld [tilespmem:s11+$0x90];
	v10 =	vadd.f32 v10, v14  }
0xd0: {  	v9 =	vld [tilespmem:s11+$0x8090];
	v14 =	vperm.xlane v15, v0;
	v11 =	vperm.xlane v11, v0  }
0xd1: {  	v15 =	vld [tilespmem:s11+$0xA0];
	v8 =	vadd.f32 v8, v10  }
0xd2: {  	v10 =	vld [tilespmem:s11+$0x80A0];
	v11 =	vsel vm1, v14, v11  }
0xd3: {  	v12 =	vmul.f32 v12, v17;
	v14 =	vld [tilespmem:s11+$0xB0];
	v8 =	vadd.f32 v11, v8  }
0xd4: {  	v11 =	vld [tilespmem:s11+$0x80B0]  }
0xd5: {  	v8 =	vadd.f32 v12, v8;
	v9 =	vmul.f32 v9, v13;
	v12 =	vld [tilespmem:s11+$0xC0]  }
0xd6: {  	v13 =	vld [tilespmem:s11+$0x80C0]  }
0xd7: {  	v8 =	vadd.f32 v9, v8;
	v9 =	vmul.f32 v10, v15;
	v10 =	vld [tilespmem:s11+$0xD0]  }
0xd8: {  	v15 =	vld [tilespmem:s11+$0x80D0]  }
0xd9: {  	v8 =	vadd.f32 v9, v8;
	v9 =	vmul.f32 v11, v14;
	v11 =	vld [tilespmem:s11+$0xE0]  }
0xda: {  	v14 =	vld [tilespmem:s11+$0x80E0]  }
0xdb: {  	v8 =	vadd.f32 v9, v8;
	v9 =	vmul.f32 v13, v12;
	v12 =	vld [tilespmem:s11+$0xF0]  }
0xdc: {  	v13 =	vld [tilespmem:s11+$0x80F0]  }
0xdd: {  	v8 =	vadd.f32 v9, v8;
	v9 =	vmul.f32 v15, v10;
	v10 =	vld [tilespmem:s11+$0x480]  }
0xde: {  	v15 =	vld [tilespmem:s11+$0x8480]  }
0xdf: {  	v8 =	vadd.f32 v9, v8;
	v9 =	vmul.f32 v14, v11;
	v11 =	vld [tilespmem:s11+$0x490]  }
0xe0: {  	v14 =	vld [tilespmem:s11+$0x8490]  }
0xe1: {  	v8 =	vadd.f32 v9, v8;
	v9 =	vmul.f32 v13, v12;
	v12 =	vld [tilespmem:s11+$0x4A0]  }
0xe2: {  	v13 =	vld [tilespmem:s11+$0x84A0]  }
0xe3: {  	v8 =	vadd.f32 v9, v8;
	v9 =	vmul.f32 v15, v10;
	v10 =	vld [tilespmem:s11+$0x4B0]  }
0xe4: {  	v15 =	vld [tilespmem:s11+$0x84B0]  }
0xe5: {  	v8 =	vadd.f32 v9, v8;
	v9 =	vmul.f32 v14, v11;
	v11 =	vld [tilespmem:s11+$0x4C0]  }
0xe6: {  	v14 =	vld [tilespmem:s11+$0x84C0]  }
0xe7: {  	v8 =	vadd.f32 v9, v8;
	v9 =	vmul.f32 v13, v12;
	v12 =	vld [tilespmem:s11+$0x4D0]  }
0xe8: {  	v13 =	vld [tilespmem:s11+$0x84D0]  }
0xe9: {  	v8 =	vadd.f32 v9, v8;
	v9 =	vmul.f32 v15, v10;
	v10 =	vld [tilespmem:s11+$0x4E0]  }
0xea: {  	v15 =	vld [tilespmem:s11+$0x84E0]  }
0xeb: {  	v8 =	vadd.f32 v9, v8;
	v9 =	vmul.f32 v14, v11;
	v11 =	vld [tilespmem:s11+$0x4F0]  }
0xec: {  	v14 =	vld [tilespmem:s11+$0x84F0]  }
0xed: {  	v8 =	vadd.f32 v9, v8;
	v9 =	vmul.f32 v13, v12;
	v12 =	vld [tilespmem:s11+$0x880]  }
0xee: {  	v13 =	vld [tilespmem:s11+$0x8880]  }
0xef: {  	v8 =	vadd.f32 v9, v8;
	v9 =	vmul.f32 v15, v10;
	v10 =	vld [tilespmem:s11+$0x890]  }
0xf0: {  	v15 =	vld [tilespmem:s11+$0x8890]  }
0xf1: {  	v8 =	vadd.f32 v9, v8;
	v9 =	vmul.f32 v14, v11;
	v11 =	vld [tilespmem:s11+$0x8A0]  }
0xf2: {  	v14 =	vld [tilespmem:s11+$0x88A0]  }
0xf3: {  	v8 =	vadd.f32 v9, v8;
	v9 =	vmul.f32 v13, v12;
	v12 =	vld [tilespmem:s11+$0x8B0]  }
0xf4: {  	v13 =	vld [tilespmem:s11+$0x88B0]  }
0xf5: {  	v8 =	vadd.f32 v9, v8;
	v9 =	vmul.f32 v15, v10;
	v10 =	vld [tilespmem:s11+$0x8C0]  }
0xf6: {  	v15 =	vld [tilespmem:s11+$0x88C0]  }
0xf7: {  	v8 =	vadd.f32 v9, v8;
	v9 =	vmul.f32 v14, v11;
	v11 =	vld [tilespmem:s11+$0x8D0]  }
0xf8: {  	v14 =	vld [tilespmem:s11+$0x88D0]  }
0xf9: {  	v8 =	vadd.f32 v9, v8;
	v9 =	vmul.f32 v13, v12;
	v12 =	vld [tilespmem:s11+$0x8E0]  }
0xfa: {  	v13 =	vld [tilespmem:s11+$0x88E0]  }
0xfb: {  	v8 =	vadd.f32 v9, v8;
	v9 =	vmul.f32 v15, v10;
	v10 =	vld [tilespmem:s11+$0x8F0]  }
0xfc: {  	v15 =	vld [tilespmem:s11+$0x88F0]  }
0xfd: {  	v8 =	vadd.f32 v9, v8;
	v9 =	vmul.f32 v14, v11;
	v11 =	vld [tilespmem:s11+$0xC80]  }
0xfe: {  	v14 =	vld [tilespmem:s11+$0x8C80]  }
0xff: {  	v8 =	vadd.f32 v9, v8;
	v9 =	vmul.f32 v13, v12;
	v12 =	vld [tilespmem:s11+$0xC90]  }
0x100: {  	v13 =	vld [tilespmem:s11+$0x8C90]  }
0x101: {  	v8 =	vadd.f32 v9, v8;
	v9 =	vmul.f32 v15, v10;
	v10 =	vld [tilespmem:s11+$0xCA0]  }
0x102: {  	v15 =	vld [tilespmem:s11+$0x8CA0]  }
0x103: {  	v8 =	vadd.f32 v9, v8;
	v9 =	vmul.f32 v14, v11;
	v11 =	vld [tilespmem:s11+$0xCB0]  }
0x104: {  	v14 =	vld [tilespmem:s11+$0x8CB0]  }
0x105: {  	v8 =	vadd.f32 v9, v8;
	v9 =	vmul.f32 v13, v12;
	v12 =	vld [tilespmem:s11+$0xCC0]  }
0x106: {  	v13 =	vld [tilespmem:s11+$0x8CC0]  }
0x107: {  	v8 =	vadd.f32 v9, v8;
	v9 =	vmul.f32 v15, v10;
	v10 =	vld [tilespmem:s11+$0xCD0]  }
0x108: {  	v15 =	vld [tilespmem:s11+$0x8CD0]  }
0x109: {  	v8 =	vadd.f32 v9, v8;
	v9 =	vmul.f32 v14, v11;
	v11 =	vld [tilespmem:s11+$0xCE0]  }
0x10a: {  	v14 =	vld [tilespmem:s11+$0x8CE0]  }
0x10b: {  	v8 =	vadd.f32 v9, v8;
	v9 =	vmul.f32 v13, v12;
	v12 =	vld [tilespmem:s11+$0xCF0]  }
0x10c: {  	v13 =	vld [tilespmem:s11+$0x8CF0]  }
0x10d: {  	v8 =	vadd.f32 v9, v8;
	v9 =	vmul.f32 v15, v10;
	v10 =	vld [tilespmem:s11+$0x1080]  }
0x10e: {  	v15 =	vld [tilespmem:s11+$0x9080]  }
0x10f: {  	v8 =	vadd.f32 v9, v8;
	v9 =	vmul.f32 v14, v11;
	v11 =	vld [tilespmem:s11+$0x1090]  }
0x110: {  	v14 =	vld [tilespmem:s11+$0x9090]  }
0x111: {  	v8 =	vadd.f32 v9, v8;
	v9 =	vmul.f32 v13, v12;
	v12 =	vld [tilespmem:s11+$0x10A0]  }
0x112: {  	v13 =	vld [tilespmem:s11+$0x90A0]  }
0x113: {  	v8 =	vadd.f32 v9, v8;
	v9 =	vmul.f32 v15, v10;
	v10 =	vld [tilespmem:s11+$0x10B0]  }
0x114: {  	v15 =	vld [tilespmem:s11+$0x90B0]  }
0x115: {  	v8 =	vadd.f32 v9, v8;
	v9 =	vmul.f32 v14, v11;
	v11 =	vld [tilespmem:s11+$0x10C0]  }
0x116: {  	v14 =	vld [tilespmem:s11+$0x90C0]  }
0x117: {  	v8 =	vadd.f32 v9, v8;
	v9 =	vmul.f32 v13, v12;
	v12 =	vld [tilespmem:s11+$0x10D0]  }
0x118: {  	v13 =	vld [tilespmem:s11+$0x90D0]  }
0x119: {  	v8 =	vadd.f32 v9, v8;
	v9 =	vmul.f32 v15, v10;
	v10 =	vld [tilespmem:s11+$0x10E0]  }
0x11a: {  	v15 =	vld [tilespmem:s11+$0x90E0]  }
0x11b: {  	v8 =	vadd.f32 v9, v8;
	v9 =	vmul.f32 v14, v11;
	v11 =	vld [tilespmem:s11+$0x10F0]  }
0x11c: {  	v14 =	vld [tilespmem:s11+$0x90F0]  }
0x11d: {  	v8 =	vadd.f32 v9, v8;
	v9 =	vmul.f32 v13, v12;
	v12 =	vld [tilespmem:s11+$0x1480]  }
0x11e: {  	v13 =	vld [tilespmem:s11+$0x9480]  }
0x11f: {  	v8 =	vadd.f32 v9, v8;
	v9 =	vmul.f32 v15, v10;
	v10 =	vld [tilespmem:s11+$0x1490]  }
0x120: {  	v15 =	vld [tilespmem:s11+$0x9490]  }
0x121: {  	v8 =	vadd.f32 v9, v8;
	v9 =	vmul.f32 v14, v11;
	v11 =	vld [tilespmem:s11+$0x14A0]  }
0x122: {  	v14 =	vld [tilespmem:s11+$0x94A0]  }
0x123: {  	v8 =	vadd.f32 v9, v8;
	v9 =	vmul.f32 v13, v12;
	v12 =	vld [tilespmem:s11+$0x14B0]  }
0x124: {  	v13 =	vld [tilespmem:s11+$0x94B0]  }
0x125: {  	v8 =	vadd.f32 v9, v8;
	v9 =	vmul.f32 v15, v10;
	v10 =	vld [tilespmem:s11+$0x14C0]  }
0x126: {  	v15 =	vld [tilespmem:s11+$0x94C0]  }
0x127: {  	v8 =	vadd.f32 v9, v8;
	v9 =	vmul.f32 v14, v11;
	v11 =	vld [tilespmem:s11+$0x14D0]  }
0x128: {  	v14 =	vld [tilespmem:s11+$0x94D0]  }
0x129: {  	v8 =	vadd.f32 v9, v8;
	v9 =	vmul.f32 v13, v12;
	v12 =	vld [tilespmem:s11+$0x14E0]  }
0x12a: {  	v13 =	vld [tilespmem:s11+$0x94E0]  }
0x12b: {  	v8 =	vadd.f32 v9, v8;
	v9 =	vmul.f32 v15, v10;
	v10 =	vld [tilespmem:s11+$0x14F0]  }
0x12c: {  	v15 =	vld [tilespmem:s11+$0x94F0]  }
0x12d: {  	v8 =	vadd.f32 v9, v8;
	v9 =	vmul.f32 v14, v11;
	v11 =	vld [tilespmem:s11+$0x1880]  }
0x12e: {  	v14 =	vld [tilespmem:s11+$0x9880]  }
0x12f: {  	v8 =	vadd.f32 v9, v8;
	v9 =	vmul.f32 v13, v12;
	v12 =	vld [tilespmem:s11+$0x1890]  }
0x130: {  	v13 =	vld [tilespmem:s11+$0x9890]  }
0x131: {  	v8 =	vadd.f32 v9, v8;
	v9 =	vmul.f32 v15, v10;
	v10 =	vld [tilespmem:s11+$0x18A0]  }
0x132: {  	v15 =	vld [tilespmem:s11+$0x98A0]  }
0x133: {  	v8 =	vadd.f32 v9, v8;
	v9 =	vmul.f32 v14, v11;
	v11 =	vld [tilespmem:s11+$0x18B0]  }
0x134: {  	v14 =	vld [tilespmem:s11+$0x98B0]  }
0x135: {  	s0 =	sadd.s32 $0x1, s0;
	v8 =	vadd.f32 v9, v8;
	v9 =	vmul.f32 v13, v12;
	v12 =	vld [tilespmem:s11+$0x18C0]  }
0x136: {  	s13 =	sand.u32 $0x7, s0;
	v13 =	vld [tilespmem:s11+$0x98C0]  }
0x137: {  	s10 =	sadd.s32 $0x400, s10;
	s13 =	sshll.u32 s13, $0x7;
	v8 =	vadd.f32 v9, v8;
	v9 =	vmul.f32 v15, v10;
	v15 =	vld [tilespmem:s11+$0x18D0]  }
0x138: {  	s13 =	sadd.s32 s13, s10;
	v16 =	vld [tilespmem:s11+$0x98D0]  }
0x139: {  	v9 =	vadd.f32 v9, v8;
	v10 =	vmul.f32 v14, v11;
	v11 =	vld [tilespmem:s11+$0x98E0];
	s11 =	sor.u32 $0x1C50, s13  }
0x13a: {  	s14 =	sor.u32 $0x1C40, s13;
	v8 =	vld [tilespmem:s11+$0x8080]  }
0x13b: {  	v14 =	vadd.f32 v10, v9;
	v12 =	vmul.f32 v13, v12;
	v10 =	vld [tilespmem:s14+$0x80]  }
0x13c: {  	s15 =	sor.u32 $0x1C00, s13;
	v9 =	vld [tilespmem:s11+$0x80]  }
0x13d: {  	v12 =	vadd.f32 v12, v14;
	v13 =	vmul.f32 v16, v15;
	v14 =	vld [tilespmem:s15+$0x80]  }
0x13e: {  	s11 =	sor.u32 $0x1C10, s13;
	v15 =	vld [tilespmem:s15+$0x8080]  }
0x13f: {  	v7 =	vmul.f32 v11, v7;
	v12 =	vadd.f32 v13, v12;
	v11 =	vld [tilespmem:s11+$0x80]  }
0x140: {  	v13 =	vld [tilespmem:s11+$0x8080];
	s11 =	sor.u32 $0x1C20, s13  }
0x141: {  	v5 =	vmul.f32 v6, v5;
	v7 =	vadd.f32 v7, v12;
	v6 =	vld [tilespmem:s11+$0x80]  }
0x142: {  	v16 =	vld [tilespmem:s11+$0x8080];
	s11 =	sor.u32 $0x1C30, s13  }
0x143: {  	v5 =	vadd.f32 v5, v7;
	v7 =	vmul.f32 v15, v14;
	v15 =	vld [tilespmem:s11+$0x80]  }
0x144: {  	s2 =	sadd.s32 $0x400, s2;
	s13 =	sor.u32 $0x1C60, s13;
	v17 =	vld [tilespmem:s11+$0x8080]  }
.Ltmp0:
0x145: {  	s11 =	sadd.s32 $0x8000, s2;
	v5 =	vadd.f32 v7, v5;
	v7 =	vmul.f32 v13, v11;
	v11 =	vld.msk [tilespmem:s13+$0x80], $0xff;
	(pc) =	sbr.rel @p0 .LBB2_3-.Ltmp0, $4  }
0x146: {  	s15 =	sand.u32 $0x380, s1;
	s11 =	sand.u32 $0x6000, s11;
	v12 =	vld [tilespmem:s14+$0x8080]  }
0x147: {  	s11 =	sor.u32 s15, s11;
	v7 =	vadd.f32 v7, v5;
	v14 =	vmul.f32 v16, v6;
	v13 =	vld.msk [tilespmem:s13+$0x8080], $0xff  }
0x148: {  	v5 =	vld [tilespmem:s11+$0x18F0]  }
0x149: {  	s1 =	sadd.s32 $0x80, s1;
	v6 =	vld [tilespmem:s11+$0x98F0];
	v14 =	vadd.f32 v14, v7;
	v15 =	vmul.f32 v17, v15  }
0x14a: {  	v7 =	vld [tilespmem:s11+$0x18E0];
	v16 =	vmul.f32 v1, v9;
	v11 =	vmul.f32 v1, v11  }
0x14b: {  	v17 =	vld [tilespmem:s11+$0x80];
	v14 =	vadd.f32 v15, v14;
	v10 =	vmul.f32 v12, v10  }
0x14c: {  	v32 =	vld [tilespmem:s11+$0x8080];
	v33 =	vmul.f32 v8, v16;
	v11 =	vmul.f32 v13, v11  }
0x14d: {  	v34 =	vld [tilespmem:s11+$0x90];
	v8 =	vmul.f32 v8, v9;
	v10 =	vadd.f32 v10, v14  }
0x14e: {  	v9 =	vld [tilespmem:s11+$0x8090];
	v35 =	vperm.xlane v33, v0;
	v11 =	vperm.xlane v11, v0  }
0x14f: {  	v36 =	vld [tilespmem:s11+$0xA0];
	v8 =	vadd.f32 v8, v10  }
0x150: {  	v10 =	vld [tilespmem:s11+$0x80A0];
	v11 =	vsel vm1, v35, v11  }
0x151: {  	v37 =	vld [tilespmem:s11+$0xB0];
	v12 =	vmul.f32 v32, v17;
	v8 =	vadd.f32 v11, v8  }
0x152: {  	v11 =	vld [tilespmem:s11+$0x80B0]  }
0x153: {  	v38 =	vld [tilespmem:s11+$0xC0];
	v9 =	vmul.f32 v9, v34;
	v8 =	vadd.f32 v12, v8  }
0x154: {  	v39 =	vld [tilespmem:s11+$0x80C0]  }
0x155: {  	v40 =	vld [tilespmem:s11+$0x80D0];
	v8 =	vadd.f32 v9, v8;
	v9 =	vmul.f32 v10, v36  }
0x156: {  	v10 =	vld [tilespmem:s11+$0xD0]  }
0x157: {  	v41 =	vld [tilespmem:s11+$0x80E0];
	v8 =	vadd.f32 v9, v8;
	v9 =	vmul.f32 v11, v37  }
0x158: {  	v11 =	vld [tilespmem:s11+$0xE0]  }
0x159: {  	v42 =	vld [tilespmem:s11+$0xF0];
	v8 =	vadd.f32 v9, v8;
	v9 =	vmul.f32 v39, v38  }
0x15a: {  	v43 =	vld [tilespmem:s11+$0x80F0]  }
0x15b: {  	v44 =	vld [tilespmem:s11+$0x8480];
	v8 =	vadd.f32 v9, v8;
	v9 =	vmul.f32 v40, v10  }
0x15c: {  	v10 =	vld [tilespmem:s11+$0x480]  }
0x15d: {  	v45 =	vld [tilespmem:s11+$0x8490];
	v8 =	vadd.f32 v9, v8;
	v9 =	vmul.f32 v41, v11  }
0x15e: {  	v11 =	vld [tilespmem:s11+$0x490]  }
0x15f: {  	v46 =	vld [tilespmem:s11+$0x4A0];
	v8 =	vadd.f32 v9, v8;
	v9 =	vmul.f32 v43, v42  }
0x160: {  	v47 =	vld [tilespmem:s11+$0x84A0]  }
0x161: {  	v48 =	vld [tilespmem:s11+$0x84B0];
	v8 =	vadd.f32 v9, v8;
	v9 =	vmul.f32 v44, v10  }
0x162: {  	v10 =	vld [tilespmem:s11+$0x4B0]  }
0x163: {  	v49 =	vld [tilespmem:s11+$0x84C0];
	v8 =	vadd.f32 v9, v8;
	v9 =	vmul.f32 v45, v11  }
0x164: {  	v11 =	vld [tilespmem:s11+$0x4C0]  }
0x165: {  	v50 =	vld [tilespmem:s11+$0x4D0];
	v8 =	vadd.f32 v9, v8;
	v9 =	vmul.f32 v47, v46  }
0x166: {  	v51 =	vld [tilespmem:s11+$0x84D0]  }
0x167: {  	v52 =	vld [tilespmem:s11+$0x84E0];
	v8 =	vadd.f32 v9, v8;
	v9 =	vmul.f32 v48, v10  }
0x168: {  	v10 =	vld [tilespmem:s11+$0x4E0]  }
0x169: {  	v53 =	vld [tilespmem:s11+$0x84F0];
	v8 =	vadd.f32 v9, v8;
	v9 =	vmul.f32 v49, v11  }
0x16a: {  	v11 =	vld [tilespmem:s11+$0x4F0]  }
0x16b: {  	v54 =	vld [tilespmem:s11+$0x880];
	v8 =	vadd.f32 v9, v8;
	v9 =	vmul.f32 v51, v50  }
0x16c: {  	v55 =	vld [tilespmem:s11+$0x8880]  }
0x16d: {  	v56 =	vld [tilespmem:s11+$0x8890];
	v8 =	vadd.f32 v9, v8;
	v9 =	vmul.f32 v52, v10  }
0x16e: {  	v10 =	vld [tilespmem:s11+$0x890]  }
0x16f: {  	v57 =	vld [tilespmem:s11+$0x88A0];
	v8 =	vadd.f32 v9, v8;
	v9 =	vmul.f32 v53, v11  }
0x170: {  	v11 =	vld [tilespmem:s11+$0x8A0]  }
0x171: {  	v58 =	vld [tilespmem:s11+$0x8B0];
	v8 =	vadd.f32 v9, v8;
	v9 =	vmul.f32 v55, v54  }
0x172: {  	v59 =	vld [tilespmem:s11+$0x88B0]  }
0x173: {  	v60 =	vld [tilespmem:s11+$0x88C0];
	v8 =	vadd.f32 v9, v8;
	v9 =	vmul.f32 v56, v10  }
0x174: {  	v10 =	vld [tilespmem:s11+$0x8C0]  }
0x175: {  	v61 =	vld [tilespmem:s11+$0x88D0];
	v8 =	vadd.f32 v9, v8;
	v9 =	vmul.f32 v57, v11  }
0x176: {  	v11 =	vld [tilespmem:s11+$0x8D0]  }
0x177: {  	v62 =	vld [tilespmem:s11+$0x8E0];
	v8 =	vadd.f32 v9, v8;
	v9 =	vmul.f32 v59, v58  }
0x178: {  	v63 =	vld [tilespmem:s11+$0x88E0]  }
0x179: {  	v18 =	vld [tilespmem:s11+$0x88F0];
	v8 =	vadd.f32 v9, v8;
	v9 =	vmul.f32 v60, v10  }
0x17a: {  	v10 =	vld [tilespmem:s11+$0x8F0]  }
0x17b: {  	v19 =	vld [tilespmem:s11+$0x8C80];
	v8 =	vadd.f32 v9, v8;
	v9 =	vmul.f32 v61, v11  }
0x17c: {  	v11 =	vld [tilespmem:s11+$0xC80]  }
0x17d: {  	v20 =	vld [tilespmem:s11+$0xC90];
	v8 =	vadd.f32 v9, v8;
	v9 =	vmul.f32 v63, v62  }
0x17e: {  	v21 =	vld [tilespmem:s11+$0x8C90]  }
0x17f: {  	v22 =	vld [tilespmem:s11+$0x8CA0];
	v8 =	vadd.f32 v9, v8;
	v9 =	vmul.f32 v18, v10  }
0x180: {  	v10 =	vld [tilespmem:s11+$0xCA0]  }
0x181: {  	v23 =	vld [tilespmem:s11+$0x8CB0];
	v8 =	vadd.f32 v9, v8;
	v9 =	vmul.f32 v19, v11  }
0x182: {  	v11 =	vld [tilespmem:s11+$0xCB0]  }
0x183: {  	v24 =	vld [tilespmem:s11+$0xCC0];
	v8 =	vadd.f32 v9, v8;
	v9 =	vmul.f32 v21, v20  }
0x184: {  	v25 =	vld [tilespmem:s11+$0x8CC0]  }
0x185: {  	v26 =	vld [tilespmem:s11+$0x8CD0];
	v8 =	vadd.f32 v9, v8;
	v9 =	vmul.f32 v22, v10  }
0x186: {  	v10 =	vld [tilespmem:s11+$0xCD0]  }
0x187: {  	v27 =	vld [tilespmem:s11+$0x8CE0];
	v8 =	vadd.f32 v9, v8;
	v9 =	vmul.f32 v23, v11  }
0x188: {  	v11 =	vld [tilespmem:s11+$0xCE0]  }
0x189: {  	v28 =	vld [tilespmem:s11+$0xCF0];
	v8 =	vadd.f32 v9, v8;
	v9 =	vmul.f32 v25, v24  }
0x18a: {  	v29 =	vld [tilespmem:s11+$0x8CF0]  }
0x18b: {  	v30 =	vld [tilespmem:s11+$0x9080];
	v8 =	vadd.f32 v9, v8;
	v9 =	vmul.f32 v26, v10  }
0x18c: {  	v10 =	vld [tilespmem:s11+$0x1080]  }
0x18d: {  	v31 =	vld [tilespmem:s11+$0x9090];
	v8 =	vadd.f32 v9, v8;
	v9 =	vmul.f32 v27, v11  }
0x18e: {  	v11 =	vld [tilespmem:s11+$0x1090]  }
0x18f: {  	v33 =	vld [tilespmem:s11+$0x90A0];
	v8 =	vadd.f32 v9, v8;
	v9 =	vmul.f32 v29, v28  }
0x190: {  	v32 =	vld [tilespmem:s11+$0x10A0]  }
0x191: {  	v34 =	vld [tilespmem:s11+$0x90B0];
	v8 =	vadd.f32 v9, v8;
	v9 =	vmul.f32 v30, v10  }
0x192: {  	v10 =	vld [tilespmem:s11+$0x10B0]  }
0x193: {  	v35 =	vld [tilespmem:s11+$0x90C0];
	v8 =	vadd.f32 v9, v8;
	v9 =	vmul.f32 v31, v11  }
0x194: {  	v11 =	vld [tilespmem:s11+$0x10C0]  }
0x195: {  	v36 =	vld [tilespmem:s11+$0x10D0];
	v8 =	vadd.f32 v9, v8;
	v9 =	vmul.f32 v33, v32  }
0x196: {  	v37 =	vld [tilespmem:s11+$0x90D0]  }
0x197: {  	v38 =	vld [tilespmem:s11+$0x90E0];
	v8 =	vadd.f32 v9, v8;
	v9 =	vmul.f32 v34, v10  }
0x198: {  	v10 =	vld [tilespmem:s11+$0x10E0]  }
0x199: {  	v39 =	vld [tilespmem:s11+$0x90F0];
	v8 =	vadd.f32 v9, v8;
	v9 =	vmul.f32 v35, v11  }
0x19a: {  	v11 =	vld [tilespmem:s11+$0x10F0]  }
0x19b: {  	v40 =	vld [tilespmem:s11+$0x1480];
	v8 =	vadd.f32 v9, v8;
	v9 =	vmul.f32 v37, v36  }
0x19c: {  	v41 =	vld [tilespmem:s11+$0x9480]  }
0x19d: {  	v42 =	vld [tilespmem:s11+$0x9490];
	v8 =	vadd.f32 v9, v8;
	v9 =	vmul.f32 v38, v10  }
0x19e: {  	v10 =	vld [tilespmem:s11+$0x1490]  }
0x19f: {  	v43 =	vld [tilespmem:s11+$0x94A0];
	v8 =	vadd.f32 v9, v8;
	v9 =	vmul.f32 v39, v11  }
0x1a0: {  	v11 =	vld [tilespmem:s11+$0x14A0]  }
0x1a1: {  	v44 =	vld [tilespmem:s11+$0x14B0];
	v8 =	vadd.f32 v9, v8;
	v9 =	vmul.f32 v41, v40  }
0x1a2: {  	v45 =	vld [tilespmem:s11+$0x94B0]  }
0x1a3: {  	v46 =	vld [tilespmem:s11+$0x94C0];
	v8 =	vadd.f32 v9, v8;
	v9 =	vmul.f32 v42, v10  }
0x1a4: {  	v10 =	vld [tilespmem:s11+$0x14C0]  }
0x1a5: {  	v47 =	vld [tilespmem:s11+$0x94D0];
	v8 =	vadd.f32 v9, v8;
	v9 =	vmul.f32 v43, v11  }
0x1a6: {  	v11 =	vld [tilespmem:s11+$0x14D0]  }
0x1a7: {  	v48 =	vld [tilespmem:s11+$0x14E0];
	v8 =	vadd.f32 v9, v8;
	v9 =	vmul.f32 v45, v44  }
0x1a8: {  	v49 =	vld [tilespmem:s11+$0x94E0]  }
0x1a9: {  	v50 =	vld [tilespmem:s11+$0x94F0];
	v8 =	vadd.f32 v9, v8;
	v9 =	vmul.f32 v46, v10  }
0x1aa: {  	v10 =	vld [tilespmem:s11+$0x14F0]  }
0x1ab: {  	v51 =	vld [tilespmem:s11+$0x9880];
	v8 =	vadd.f32 v9, v8;
	v9 =	vmul.f32 v47, v11  }
0x1ac: {  	v11 =	vld [tilespmem:s11+$0x1880]  }
0x1ad: {  	v52 =	vld [tilespmem:s11+$0x1890];
	v8 =	vadd.f32 v9, v8;
	v9 =	vmul.f32 v49, v48  }
0x1ae: {  	v53 =	vld [tilespmem:s11+$0x9890]  }
0x1af: {  	v54 =	vld [tilespmem:s11+$0x98A0];
	v8 =	vadd.f32 v9, v8;
	v9 =	vmul.f32 v50, v10  }
0x1b0: {  	v10 =	vld [tilespmem:s11+$0x18A0]  }
0x1b1: {  	v55 =	vld [tilespmem:s11+$0x98B0];
	v8 =	vadd.f32 v9, v8;
	v9 =	vmul.f32 v51, v11  }
0x1b2: {  	s0 =	sadd.s32 $0x1, s0;
	v11 =	vld [tilespmem:s11+$0x18B0]  }
0x1b3: {  	s0 =	sand.u32 $0x7, s0;
	v56 =	vld [tilespmem:s11+$0x18C0];
	v8 =	vadd.f32 v9, v8;
	v9 =	vmul.f32 v53, v52  }
0x1b4: {  	s1 =	sadd.s32 $0x400, s10;
	s0 =	sshll.u32 s0, $0x7;
	v57 =	vld [tilespmem:s11+$0x98C0]  }
0x1b5: {  	s0 =	sadd.s32 s0, s1;
	v58 =	vld [tilespmem:s11+$0x98D0];
	v8 =	vadd.f32 v9, v8;
	v9 =	vmul.f32 v54, v10  }
0x1b6: {  	s14 =	sor.u32 $0x1C20, s0;
	v10 =	vld [tilespmem:s11+$0x18D0]  }
0x1b7: {  	v5 =	vmul.f32 v6, v5;
	v6 =	vld [tilespmem:s14+$0x80];
	v8 =	vadd.f32 v9, v8;
	v9 =	vmul.f32 v55, v11  }
0x1b8: {  	s1 =	sor.u32 $0x1C50, s0;
	v11 =	vld [tilespmem:s11+$0x98E0]  }
0x1b9: {  	s2 =	sor.u32 $0x1C40, s0;
	v59 =	vld [tilespmem:s1+$0x8080];
	v8 =	vadd.f32 v9, v8;
	v9 =	vmul.f32 v57, v56  }
0x1ba: {  	v60 =	vld [tilespmem:s2+$0x80];
	s11 =	sor.u32 $0x1C00, s0  }
0x1bb: {  	v62 =	vld [tilespmem:s11+$0x8080];
	v8 =	vadd.f32 v9, v8;
	v9 =	vmul.f32 v58, v10  }
0x1bc: {  	s13 =	sor.u32 $0x1C10, s0;
	v10 =	vld [tilespmem:s11+$0x80]  }
0x1bd: {  	v7 =	vmul.f32 v11, v7;
	v11 =	vld [tilespmem:s13+$0x8080];
	v8 =	vadd.f32 v9, v8  }
0x1be: {  	v9 =	vld [tilespmem:s13+$0x80]  }
0x1bf: {  	v61 =	vld [tilespmem:s1+$0x80];
	v7 =	vadd.f32 v7, v8  }
0x1c0: {  	s15 =	sor.u32 $0x1C30, s0;
	v8 =	vld [tilespmem:s14+$0x8080]  }
0x1c1: {  	v63 =	vld [tilespmem:s15+$0x8080];
	v5 =	vadd.f32 v5, v7;
	v7 =	vmul.f32 v62, v10  }
0x1c2: {  	s0 =	sor.u32 $0x1C60, s0;
	v10 =	vld [tilespmem:s15+$0x80]  }
0x1c3: {  	v5 =	vadd.f32 v7, v5;
	v7 =	vmul.f32 v11, v9;
	v9 =	vld.msk [tilespmem:s0+$0x80], $0xff  }
0x1c4: {  	v11 =	vld [tilespmem:s2+$0x8080]  }
0x1c5: {  	v6 =	vmul.f32 v8, v6;
	v5 =	vadd.f32 v7, v5;
	v7 =	vld.msk [tilespmem:s0+$0x8080], $0xff;
	_ =	sdelay $0x1  }
0x1c6: {  	v5 =	vadd.f32 v6, v5;
	v6 =	vmul.f32 v63, v10  }
0x1c7: {  	v8 =	vmul.f32 v1, v61;
	v9 =	vmul.f32 v1, v9  }
0x1c8: {  	s3 =	sadd.s32 $0x1, s3;
	v5 =	vadd.f32 v6, v5;
	v6 =	vmul.f32 v11, v60  }
0x1c9: {  	p0 =	sne.s32 s3, $0x8;
	v8 =	vmul.f32 v59, v8;
	v7 =	vmul.f32 v7, v9  }
.Ltmp1:
0x1ca: {  	v5 =	vadd.f32 v6, v5;
	v6 =	vmul.f32 v59, v61;
	(pc) =	sbr.rel @p0 .LBB2_2-.Ltmp1, $4  }
0x1cb: {  	v8 =	vperm.xlane v8, v0;
	v7 =	vperm.xlane v7, v0  }
0x1cc: {  	v5 =	vadd.f32 v6, v5  }
0x1cd: {  	v6 =	vsel vm1, v8, v7  }
0x1ce: {  	v8 =	vadd.f32 v6, v5  }
0x1cf: {  	_ = 	snop  }
0x1d0: {  	s0 =	simm.s32 $0x0;
	s1 =	rddreg [dreg:$0x3];
	s2 =	simm.s32 $0x10080;
	[tilespmem:$0x10080] =	vst v8  }
0x1d1: {  	[hbm4b:s1+s0] =	stream.linear.scatter [tilespmem:s2], [sflag:$0x2], $0x80, $0x38;
	[tilespmem:$0x10100] =	vst v63  }
0x1d2: {  	_ =	swait.ge [sflag:s12], $0x80  }
0x1d3: {  	s14 =	rddreg [dreg:$0x5]  }
0x1d4: {  	s15 =	rddreg [dreg:$0x4];
	s1 =	sadd.s32 $0x1, s14  }
0x1d5: {  	p0 =	sne.s32 s1, s15  }
.Ltmp2:
0x1d6: {  	_ = 	snop;
	(pc) =	sbr.rel @p0 .LBB2_1-.Ltmp2, $3  }
0x1d7: {  	_ =	sdelay $0x1  }
0x1d8: {  	[sflag:s12] =	ssyncset.done $0x0  }
0x1d9: {  	[sflag:s12] =	ssyncadd.s32 $0xFFFFFF80  }
0x1da: {  	_ =	sfence.sel $0x180000  }
0x1db: {  	[bflag:$0x0] =	sbarrier.arrive $0xFFFF  }
0x1dc: {  	_ =	strace $0x90000047  }
0x1dd: {  	s0 =	stileid.u32;
	[bflag:$0x2] =	sbarrier.arrive $0xFFFF  }
0x1de: {  	p0 =	sne.s32 s0, $0x0;
	s0 =	rddreg [dreg:$0x2]  }
0x1df: {  	s0 =	sadd.s32 @!p0 $0x100000, s0  }
0x1e0: {  	[sflag:s0] =	ssyncadd.tile.s32 @!p0 $0x1;
	_ =	shalt  }
.Lfunc_end2:
_tile_overlayer_lowered:
.L_overlay_start_2:
0x1e1: {  	(tag) =	ssettag $0x2  }
0x1e2: {  	s0 =	rddreg [dreg:$0x0];
	s2 =	stileid.u32  }
0x1e3: {  	s1 =	rddreg [dreg:$0x1];
	p0 =	sne.s32 s2, $0x0  }
0x1e4: {  	s3 =	rddreg [dreg:$0x2];
	[bflag:$0x3] =	sbarrier.arrive $0xFFFF;
	s2 =	simm.s32 @!p0 $0x1C02  }
0x1e5: {  	[timem:s3], [sflag:s2] =	dma.local @!p0 [hbm:s0], s1  }
0x1e6: {  	s0 =	simm.s32 @!p0 $0x2  }
0x1e7: {  	_ =	swait.ge @!p0 [sflag:s0], s1  }
0x1e8: {  	s1 =	ssub.s32 @!p0 $0x0, s1;
	[sflag:s0] =	ssyncset.done @!p0 $0x0  }
0x1e9: {  	[sflag:s0] =	ssyncadd.s32 @!p0 s1  }
0x1ea: {  	[bflag:$0x3] =	sbarrier.arrive $0xFFFF  }
0x1eb: {  	_ =	shalt  }

</sc_bundles>
